<compile_context>
chip_gen: v7x
topology: tpu7x:2x2x1
jax: 0.10.2.dev20260603
libtpu: 0.0.44.dev20260713+nightly
codegen_flags: <defaults>
</compile_context>

<pallas_src>
import functools

import jax
import jax.numpy as jnp
import numpy as np
from jax import lax
from jax.experimental import pallas as pl
from jax.experimental.pallas import tpu as pltpu
from jax.experimental.pallas import tpu_sc as plsc

N = 10000
E = 320000
D = 128

NC = 2
NS = 16
NW = NC * NS
CHUNK = 128
NCHUNKS = E // CHUNK
CPT = 80
NBUF = 4
GROUPS = CPT // NBUF
LAST = NW - 1
MAIN_N = NCHUNKS - LAST * CPT
PAD_N = CPT - MAIN_N
M_ROWS = N + 2048

_j = np.arange(PAD_N * CHUNK, dtype=np.int32)
_PSRC = (N + (_j % (M_ROWS - N))).reshape(PAD_N, CHUNK)
_PDST = ((_j * 131) % N).reshape(PAD_N, CHUNK)
R_STD = 624
R_LAST = N - (NS - 1) * R_STD


def _pre_body(x_ref, w_ref, b_ref, o_ref):
    o_ref[pl.ds(0, N)] = jnp.maximum(
        jnp.dot(x_ref[...], w_ref[...], preferred_element_type=jnp.float32)
        + b_ref[...], 0.0).astype(jnp.bfloat16)
    o_ref[pl.ds(N, M_ROWS - N)] = jnp.zeros((M_ROWS - N, D), jnp.bfloat16)


_NCHUNKS_ALIGNED = LAST * CPT


def _update_body(x_ref, z_ref, w1x_ref, w1z_ref, b1_ref, w2_ref, b2_ref,
                 o_ref):
    t = jnp.maximum(
        jnp.dot(x_ref[...], w1x_ref[...], preferred_element_type=jnp.float32)
        + jnp.dot(z_ref[...], w1z_ref[...],
                  preferred_element_type=jnp.float32)
        + b1_ref[...], 0.0)
    o_ref[...] = (jnp.dot(t, w2_ref[...], preferred_element_type=jnp.float32)
                  + b2_ref[...])


_mesh = plsc.VectorSubcoreMesh(core_axis_name="c", subcore_axis_name="s")


@functools.partial(
    pl.kernel,
    out_type=jax.ShapeDtypeStruct((NC, N, D), jnp.bfloat16),
    mesh=_mesh,
    scratch_types=[
        pltpu.VMEM((CPT, CHUNK), jnp.int32),
        pltpu.VMEM((CPT, CHUNK), jnp.int32),
    ] + [pltpu.VMEM((CHUNK, D), jnp.bfloat16)] * NBUF
      + [pltpu.VMEM_SHARED((N, D), jnp.bfloat16)]
      + [pltpu.SemaphoreType.DMA] * NBUF,
    compiler_params=pltpu.CompilerParams(use_tc_tiling_on_sc=False),
)
def _segment_sum_sc(m_hbm, e3_hbm, psrc_hbm, pdst_hbm, zeros_hbm, out_hbm,
                    src_v, dst_v, *ring):
    cid = lax.axis_index("c")
    sid = lax.axis_index("s")
    wid = sid * NC + cid
    rows = ring[:NBUF]
    z_sh = ring[NBUF]
    sems = ring[NBUF + 1:]

    @pl.when(wid < LAST)
    def _():
        c0 = pl.multiple_of(wid * CPT, 8)
        pltpu.sync_copy(e3_hbm.at[0, pl.ds(c0, CPT)], src_v)
        pltpu.sync_copy(e3_hbm.at[1, pl.ds(c0, CPT)], dst_v)

    @pl.when(wid == LAST)
    def _():
        pltpu.sync_copy(e3_hbm.at[0, pl.ds(_NCHUNKS_ALIGNED, MAIN_N)],
                        src_v.at[pl.ds(0, MAIN_N)])
        pltpu.sync_copy(e3_hbm.at[1, pl.ds(_NCHUNKS_ALIGNED, MAIN_N)],
                        dst_v.at[pl.ds(0, MAIN_N)])
        pltpu.sync_copy(psrc_hbm, src_v.at[pl.ds(MAIN_N, PAD_N)])
        pltpu.sync_copy(pdst_hbm, dst_v.at[pl.ds(MAIN_N, PAD_N)])

    for b in range(NBUF):
        pltpu.async_copy(m_hbm.at[src_v.at[b]], rows[b], sems[b])

    zr0 = pl.multiple_of(sid * R_STD, 8)

    @pl.when(sid < NS - 1)
    def _():
        pltpu.sync_copy(zeros_hbm.at[pl.ds(0, R_STD)],
                        z_sh.at[pl.ds(zr0, R_STD)])

    @pl.when(sid == NS - 1)
    def _():
        pltpu.sync_copy(zeros_hbm, z_sh.at[pl.ds(zr0, R_LAST)])

    plsc.subcore_barrier()

    def group(g, issue_next):
        for b in range(NBUF):
            i = g * NBUF + b
            pltpu.make_async_copy(m_hbm.at[src_v.at[i]], rows[b],
                                  sems[b]).wait()
            pltpu.sync_copy(rows[b], z_sh.at[dst_v.at[i]], add=True)
            if issue_next:
                pltpu.async_copy(m_hbm.at[src_v.at[i + NBUF]], rows[b],
                                 sems[b])

    def body(g, carry):
        group(g, True)
        return carry

    lax.fori_loop(0, GROUPS - 1, body, 0)
    group(GROUPS - 1, False)

    plsc.subcore_barrier()

    @pl.when(sid < NS - 1)
    def _():
        pltpu.sync_copy(z_sh.at[pl.ds(zr0, R_STD)],
                        out_hbm.at[cid, pl.ds(zr0, R_STD)])

    @pl.when(sid == NS - 1)
    def _():
        pltpu.sync_copy(z_sh.at[pl.ds(zr0, R_LAST)],
                        out_hbm.at[cid, pl.ds(zr0, R_LAST)])


def kernel(x, edge_index, W_pre, b_pre, W_u1, b_u1, W_u2, b_u2):
    e3 = edge_index.astype(jnp.int32).reshape(2, NCHUNKS, CHUNK)

    m = pl.pallas_call(
        _pre_body,
        out_shape=jax.ShapeDtypeStruct((M_ROWS, D), jnp.bfloat16),
    )(x, W_pre, b_pre.reshape(1, D))

    zeros = jnp.zeros((R_LAST, D), dtype=jnp.bfloat16)
    z_parts = _segment_sum_sc(m, e3, jnp.asarray(_PSRC), jnp.asarray(_PDST),
                              zeros)

    z = z_parts[0].astype(jnp.float32) + z_parts[1].astype(jnp.float32)

    h = pl.pallas_call(
        _update_body,
        out_shape=jax.ShapeDtypeStruct((N, D), jnp.float32),
    )(x, z, W_u1[:D], W_u1[D:], b_u1.reshape(1, D), W_u2,
      b_u2.reshape(1, D))
    return h

# --- scband reference (transcript-rebuilt; emitter-appended) ---
"""Pipeline reference for scband-mp-34686155882688 (READ-ONLY COPY).

The authoritative reference and input builder live on the scoring server;
editing this copy changes nothing except your own understanding.
"""

import jax, jax.numpy as jnp
import numpy as np

N = 10000
E = 320000
D = 128

def _xavier(key, fan_in, fan_out):
    limit = float(np.sqrt(6.0 / (fan_in + fan_out)))
    return jax.random.uniform(key, (fan_in, fan_out), minval=-limit, maxval=limit, dtype=jnp.float32)

def setup_inputs(seed: int = 0) -> dict:
    key = jax.random.key(seed)
    ks = jax.random.split(key, 8)
    x = jax.random.normal(ks[0], (N, D), dtype=jnp.float32)
    edge_index = jax.random.randint(ks[1], (2, E), 0, N, dtype=jnp.int64)
    # first_layer=True: pre_layers = Linear(D, D) + ReLU
    W_pre = _xavier(ks[2], D, D)
    b_pre = jnp.zeros((D,), dtype=jnp.float32)
    # update_layers = Linear(2D, D) + ReLU + Linear(D, D)
    W_u1 = _xavier(ks[3], 2 * D, D)
    b_u1 = jnp.zeros((D,), dtype=jnp.float32)
    W_u2 = _xavier(ks[4], D, D)
    b_u2 = jnp.zeros((D,), dtype=jnp.float32)
    return {"x": x, "edge_index": edge_index, "W_pre": W_pre, "b_pre": b_pre, "W_u1": W_u1, "b_u1": b_u1, "W_u2": W_u2, "b_u2": b_u2}

def reference(x, edge_index, W_pre, b_pre, W_u1, b_u1, W_u2, b_u2):
    src = edge_index[0]
    dst = edge_index[1]
    # msg_func: msg = pre_layers(src_x) = ReLU(Linear(x[src]))
    msg = jax.nn.relu(jnp.take(x, src, axis=0) @ W_pre + b_pre)
    # reduce_func: z = sum of incoming messages per dst node (scatter-add)
    z = jax.ops.segment_sum(msg, dst, num_segments=N)
    # node_update: h = update_layers(cat([x, z]))
    h = jnp.concatenate([x, z], axis=1)
    h = jax.nn.relu(h @ W_u1 + b_u1)
    h = h @ W_u2 + b_u2
    return h

if __name__ == "__main__":
    import jax
    _d = setup_inputs()
    print(jax.jit(kernel)(*tuple(_d.values())))

</pallas_src>

<mosaic_0001>
#map = affine_map<(d0, d1) -> (0, 0)>
#map1 = affine_map<(d0, d1) -> (0, 0, 0)>
module attributes {stable_mosaic.version = 14 : i64} {
  func.func @_segment_sum_sc(%arg0: i32, %arg1: i32, %arg2: memref<12048x128xbf16, #tpu.memory_space<hbm>>, %arg3: memref<2x2500x128xi32, #tpu.memory_space<hbm>>, %arg4: memref<60x128xi32, #tpu.memory_space<hbm>>, %arg5: memref<60x128xi32, #tpu.memory_space<hbm>>, %arg6: memref<640x128xbf16, #tpu.memory_space<hbm>>, %arg7: memref<2x10000x128xbf16, #tpu.memory_space<hbm>>, %arg8: memref<80x128xi32, #tpu.memory_space<vmem>>, %arg9: memref<80x128xi32, #tpu.memory_space<vmem>>, %arg10: memref<128x128xbf16, #tpu.memory_space<vmem>>, %arg11: memref<128x128xbf16, #tpu.memory_space<vmem>>, %arg12: memref<128x128xbf16, #tpu.memory_space<vmem>>, %arg13: memref<128x128xbf16, #tpu.memory_space<vmem>>, %arg14: memref<10000x128xbf16, #tpu.memory_space<vmem_shared>>, %arg15: memref<!tpu.dma_semaphore, #tpu.memory_space<semaphore_mem>>, %arg16: memref<!tpu.dma_semaphore, #tpu.memory_space<semaphore_mem>>, %arg17: memref<!tpu.dma_semaphore, #tpu.memory_space<semaphore_mem>>, %arg18: memref<!tpu.dma_semaphore, #tpu.memory_space<semaphore_mem>>) attributes {dimension_semantics = [#tpu.dimension_semantics<core_parallel>, #tpu.dimension_semantics<subcore_parallel>], iteration_bounds = array<i64: 2, 16>, scalar_prefetch = 0 : i64, scratch_operands = 11 : i64, tpu.core_type = #tpu.core_type<sc_vector_subcore>, window_params = [{transform_indices = #map}, {transform_indices = #map1}, {transform_indices = #map}, {transform_indices = #map}, {transform_indices = #map}, {transform_indices = #map1}]} {
    %mul3A = arith.constant 2 : i32
    %mul3A_0 = arith.muli %arg1, %mul3A : i32
    %add3A = arith.addi %mul3A_0, %arg0 : i32
    %lt3A = arith.constant 31 : i32
    %lt3A_1 = arith.cmpi slt, %add3A, %lt3A : i32
    %convert_element_type3A = arith.extui %lt3A_1 : i1 to i32
    %cond3A = arith.constant 0 : i32
    %cond3A_2 = arith.cmpi ne, %convert_element_type3A, %cond3A : i32
    scf.if %cond3A_2 {
      %mul3A_92 = arith.constant 80 : i32
      %mul3A_93 = arith.muli %add3A, %mul3A_92 : i32
      %multiple_of3A_94 = tpu.assume_multiple %mul3A_93, 8 : i32
      %run_scoped3A_95 = arith.constant 0 : i32
      "tpu.region"() ({
        %run_scoped3A_97 = tpu.sem_alloc : memref<!tpu.dma_semaphore, #tpu.memory_space<semaphore_mem>>
        %dma_start3A_98 = arith.constant 0 : i32
        %dma_start3A_99 = tpu.memref_slice %arg3[%run_scoped3A_95, %multiple_of3A_94, %dma_start3A_98] : memref<2x2500x128xi32, #tpu.memory_space<hbm>> -> memref<1x80x128xi32, #tpu.memory_space<hbm>>
        %dma_start3A_100 = tpu.memref_squeeze %dma_start3A_99 : memref<1x80x128xi32, #tpu.memory_space<hbm>> -> memref<80x128xi32, #tpu.memory_space<hbm>>
        %dma_start3A_101 = arith.constant 0 : i32
        %dma_start3A_102 = tpu.memref_slice %arg3[%run_scoped3A_95, %multiple_of3A_94, %dma_start3A_101] : memref<2x2500x128xi32, #tpu.memory_space<hbm>> -> memref<1x80x128xi32, #tpu.memory_space<hbm>>
        %dma_start3A_103 = tpu.memref_squeeze %dma_start3A_102 : memref<1x80x128xi32, #tpu.memory_space<hbm>> -> memref<80x128xi32, #tpu.memory_space<hbm>>
        tpu.enqueue_dma source(%dma_start3A_103 : memref<80x128xi32, #tpu.memory_space<hbm>>) target(%arg8 : memref<80x128xi32, #tpu.memory_space<vmem>>) target_semaphore(%run_scoped3A_97 : memref<!tpu.dma_semaphore, #tpu.memory_space<semaphore_mem>>)
        %dma_wait3A_104 = arith.constant 0 : i32
        %dma_wait3A_105 = tpu.memref_slice %arg3[%run_scoped3A_95, %multiple_of3A_94, %dma_wait3A_104] : memref<2x2500x128xi32, #tpu.memory_space<hbm>> -> memref<1x80x128xi32, #tpu.memory_space<hbm>>
        %dma_wait3A_106 = tpu.memref_squeeze %dma_wait3A_105 : memref<1x80x128xi32, #tpu.memory_space<hbm>> -> memref<80x128xi32, #tpu.memory_space<hbm>>
        %dma_wait3A_107 = arith.constant 0 : i32
        %dma_wait3A_108 = tpu.memref_slice %arg3[%run_scoped3A_95, %multiple_of3A_94, %dma_wait3A_107] : memref<2x2500x128xi32, #tpu.memory_space<hbm>> -> memref<1x80x128xi32, #tpu.memory_space<hbm>>
        %dma_wait3A_109 = tpu.memref_squeeze %dma_wait3A_108 : memref<1x80x128xi32, #tpu.memory_space<hbm>> -> memref<80x128xi32, #tpu.memory_space<hbm>>
        tpu.wait_dma2 semaphore(%run_scoped3A_97 : memref<!tpu.dma_semaphore, #tpu.memory_space<semaphore_mem>>) src(%dma_wait3A_109 : memref<80x128xi32, #tpu.memory_space<hbm>>) dst(%arg8 : memref<80x128xi32, #tpu.memory_space<vmem>>)
        tpu.yield
      }) : () -> ()
      %run_scoped3A_96 = arith.constant 1 : i32
      "tpu.region"() ({
        %run_scoped3A_97 = tpu.sem_alloc : memref<!tpu.dma_semaphore, #tpu.memory_space<semaphore_mem>>
        %dma_start3A_98 = arith.constant 0 : i32
        %dma_start3A_99 = tpu.memref_slice %arg3[%run_scoped3A_96, %multiple_of3A_94, %dma_start3A_98] : memref<2x2500x128xi32, #tpu.memory_space<hbm>> -> memref<1x80x128xi32, #tpu.memory_space<hbm>>
        %dma_start3A_100 = tpu.memref_squeeze %dma_start3A_99 : memref<1x80x128xi32, #tpu.memory_space<hbm>> -> memref<80x128xi32, #tpu.memory_space<hbm>>
        %dma_start3A_101 = arith.constant 0 : i32
        %dma_start3A_102 = tpu.memref_slice %arg3[%run_scoped3A_96, %multiple_of3A_94, %dma_start3A_101] : memref<2x2500x128xi32, #tpu.memory_space<hbm>> -> memref<1x80x128xi32, #tpu.memory_space<hbm>>
        %dma_start3A_103 = tpu.memref_squeeze %dma_start3A_102 : memref<1x80x128xi32, #tpu.memory_space<hbm>> -> memref<80x128xi32, #tpu.memory_space<hbm>>
        tpu.enqueue_dma source(%dma_start3A_103 : memref<80x128xi32, #tpu.memory_space<hbm>>) target(%arg9 : memref<80x128xi32, #tpu.memory_space<vmem>>) target_semaphore(%run_scoped3A_97 : memref<!tpu.dma_semaphore, #tpu.memory_space<semaphore_mem>>)
        %dma_wait3A_104 = arith.constant 0 : i32
        %dma_wait3A_105 = tpu.memref_slice %arg3[%run_scoped3A_96, %multiple_of3A_94, %dma_wait3A_104] : memref<2x2500x128xi32, #tpu.memory_space<hbm>> -> memref<1x80x128xi32, #tpu.memory_space<hbm>>
        %dma_wait3A_106 = tpu.memref_squeeze %dma_wait3A_105 : memref<1x80x128xi32, #tpu.memory_space<hbm>> -> memref<80x128xi32, #tpu.memory_space<hbm>>
        %dma_wait3A_107 = arith.constant 0 : i32
        %dma_wait3A_108 = tpu.memref_slice %arg3[%run_scoped3A_96, %multiple_of3A_94, %dma_wait3A_107] : memref<2x2500x128xi32, #tpu.memory_space<hbm>> -> memref<1x80x128xi32, #tpu.memory_space<hbm>>
        %dma_wait3A_109 = tpu.memref_squeeze %dma_wait3A_108 : memref<1x80x128xi32, #tpu.memory_space<hbm>> -> memref<80x128xi32, #tpu.memory_space<hbm>>
        tpu.wait_dma2 semaphore(%run_scoped3A_97 : memref<!tpu.dma_semaphore, #tpu.memory_space<semaphore_mem>>) src(%dma_wait3A_109 : memref<80x128xi32, #tpu.memory_space<hbm>>) dst(%arg9 : memref<80x128xi32, #tpu.memory_space<vmem>>)
        tpu.yield
      }) : () -> ()
    } else {
    }
    %eq3A = arith.constant 31 : i32
    %eq3A_3 = arith.cmpi eq, %add3A, %eq3A : i32
    %convert_element_type3A_4 = arith.extui %eq3A_3 : i1 to i32
    %cond3A_5 = arith.constant 0 : i32
    %cond3A_6 = arith.cmpi ne, %convert_element_type3A_4, %cond3A_5 : i32
    scf.if %cond3A_6 {
      %run_scoped3A_92 = arith.constant 0 : i32
      "tpu.region"() ({
        %run_scoped3A_94 = tpu.sem_alloc : memref<!tpu.dma_semaphore, #tpu.memory_space<semaphore_mem>>
        %dma_start3A_95 = arith.constant 0 : i32
        %dma_start3A_96 = arith.constant 0 : i32
        %dma_start3A_97 = tpu.memref_slice %arg8[%dma_start3A_95, %dma_start3A_96] : memref<80x128xi32, #tpu.memory_space<vmem>> -> memref<20x128xi32, #tpu.memory_space<vmem>>
        %dma_start3A_98 = arith.constant 2480 : i32
        %dma_start3A_99 = arith.constant 0 : i32
        %dma_start3A_100 = tpu.memref_slice %arg3[%run_scoped3A_92, %dma_start3A_98, %dma_start3A_99] : memref<2x2500x128xi32, #tpu.memory_space<hbm>> -> memref<1x20x128xi32, #tpu.memory_space<hbm>>
        %dma_start3A_101 = tpu.memref_squeeze %dma_start3A_100 : memref<1x20x128xi32, #tpu.memory_space<hbm>> -> memref<20x128xi32, #tpu.memory_space<hbm>>
        %dma_start3A_102 = arith.constant 0 : i32
        %dma_start3A_103 = arith.constant 0 : i32
        %dma_start3A_104 = tpu.memref_slice %arg8[%dma_start3A_102, %dma_start3A_103] : memref<80x128xi32, #tpu.memory_space<vmem>> -> memref<20x128xi32, #tpu.memory_space<vmem>>
        %dma_start3A_105 = arith.constant 2480 : i32
        %dma_start3A_106 = arith.constant 0 : i32
        %dma_start3A_107 = tpu.memref_slice %arg3[%run_scoped3A_92, %dma_start3A_105, %dma_start3A_106] : memref<2x2500x128xi32, #tpu.memory_space<hbm>> -> memref<1x20x128xi32, #tpu.memory_space<hbm>>
        %dma_start3A_108 = tpu.memref_squeeze %dma_start3A_107 : memref<1x20x128xi32, #tpu.memory_space<hbm>> -> memref<20x128xi32, #tpu.memory_space<hbm>>
        tpu.enqueue_dma source(%dma_start3A_108 : memref<20x128xi32, #tpu.memory_space<hbm>>) target(%dma_start3A_104 : memref<20x128xi32, #tpu.memory_space<vmem>>) target_semaphore(%run_scoped3A_94 : memref<!tpu.dma_semaphore, #tpu.memory_space<semaphore_mem>>)
        %dma_wait3A_109 = arith.constant 0 : i32
        %dma_wait3A_110 = arith.constant 0 : i32
        %dma_wait3A_111 = tpu.memref_slice %arg8[%dma_wait3A_109, %dma_wait3A_110] : memref<80x128xi32, #tpu.memory_space<vmem>> -> memref<20x128xi32, #tpu.memory_space<vmem>>
        %dma_wait3A_112 = arith.constant 2480 : i32
        %dma_wait3A_113 = arith.constant 0 : i32
        %dma_wait3A_114 = tpu.memref_slice %arg3[%run_scoped3A_92, %dma_wait3A_112, %dma_wait3A_113] : memref<2x2500x128xi32, #tpu.memory_space<hbm>> -> memref<1x20x128xi32, #tpu.memory_space<hbm>>
        %dma_wait3A_115 = tpu.memref_squeeze %dma_wait3A_114 : memref<1x20x128xi32, #tpu.memory_space<hbm>> -> memref<20x128xi32, #tpu.memory_space<hbm>>
        %dma_wait3A_116 = arith.constant 0 : i32
        %dma_wait3A_117 = arith.constant 0 : i32
        %dma_wait3A_118 = tpu.memref_slice %arg8[%dma_wait3A_116, %dma_wait3A_117] : memref<80x128xi32, #tpu.memory_space<vmem>> -> memref<20x128xi32, #tpu.memory_space<vmem>>
        %dma_wait3A_119 = arith.constant 2480 : i32
        %dma_wait3A_120 = arith.constant 0 : i32
        %dma_wait3A_121 = tpu.memref_slice %arg3[%run_scoped3A_92, %dma_wait3A_119, %dma_wait3A_120] : memref<2x2500x128xi32, #tpu.memory_space<hbm>> -> memref<1x20x128xi32, #tpu.memory_space<hbm>>
        %dma_wait3A_122 = tpu.memref_squeeze %dma_wait3A_121 : memref<1x20x128xi32, #tpu.memory_space<hbm>> -> memref<20x128xi32, #tpu.memory_space<hbm>>
        tpu.wait_dma2 semaphore(%run_scoped3A_94 : memref<!tpu.dma_semaphore, #tpu.memory_space<semaphore_mem>>) src(%dma_wait3A_122 : memref<20x128xi32, #tpu.memory_space<hbm>>) dst(%dma_wait3A_118 : memref<20x128xi32, #tpu.memory_space<vmem>>)
        tpu.yield
      }) : () -> ()
      %run_scoped3A_93 = arith.constant 1 : i32
      "tpu.region"() ({
        %run_scoped3A_94 = tpu.sem_alloc : memref<!tpu.dma_semaphore, #tpu.memory_space<semaphore_mem>>
        %dma_start3A_95 = arith.constant 0 : i32
        %dma_start3A_96 = arith.constant 0 : i32
        %dma_start3A_97 = tpu.memref_slice %arg9[%dma_start3A_95, %dma_start3A_96] : memref<80x128xi32, #tpu.memory_space<vmem>> -> memref<20x128xi32, #tpu.memory_space<vmem>>
        %dma_start3A_98 = arith.constant 2480 : i32
        %dma_start3A_99 = arith.constant 0 : i32
        %dma_start3A_100 = tpu.memref_slice %arg3[%run_scoped3A_93, %dma_start3A_98, %dma_start3A_99] : memref<2x2500x128xi32, #tpu.memory_space<hbm>> -> memref<1x20x128xi32, #tpu.memory_space<hbm>>
        %dma_start3A_101 = tpu.memref_squeeze %dma_start3A_100 : memref<1x20x128xi32, #tpu.memory_space<hbm>> -> memref<20x128xi32, #tpu.memory_space<hbm>>
        %dma_start3A_102 = arith.constant 0 : i32
        %dma_start3A_103 = arith.constant 0 : i32
        %dma_start3A_104 = tpu.memref_slice %arg9[%dma_start3A_102, %dma_start3A_103] : memref<80x128xi32, #tpu.memory_space<vmem>> -> memref<20x128xi32, #tpu.memory_space<vmem>>
        %dma_start3A_105 = arith.constant 2480 : i32
        %dma_start3A_106 = arith.constant 0 : i32
        %dma_start3A_107 = tpu.memref_slice %arg3[%run_scoped3A_93, %dma_start3A_105, %dma_start3A_106] : memref<2x2500x128xi32, #tpu.memory_space<hbm>> -> memref<1x20x128xi32, #tpu.memory_space<hbm>>
        %dma_start3A_108 = tpu.memref_squeeze %dma_start3A_107 : memref<1x20x128xi32, #tpu.memory_space<hbm>> -> memref<20x128xi32, #tpu.memory_space<hbm>>
        tpu.enqueue_dma source(%dma_start3A_108 : memref<20x128xi32, #tpu.memory_space<hbm>>) target(%dma_start3A_104 : memref<20x128xi32, #tpu.memory_space<vmem>>) target_semaphore(%run_scoped3A_94 : memref<!tpu.dma_semaphore, #tpu.memory_space<semaphore_mem>>)
        %dma_wait3A_109 = arith.constant 0 : i32
        %dma_wait3A_110 = arith.constant 0 : i32
        %dma_wait3A_111 = tpu.memref_slice %arg9[%dma_wait3A_109, %dma_wait3A_110] : memref<80x128xi32, #tpu.memory_space<vmem>> -> memref<20x128xi32, #tpu.memory_space<vmem>>
        %dma_wait3A_112 = arith.constant 2480 : i32
        %dma_wait3A_113 = arith.constant 0 : i32
        %dma_wait3A_114 = tpu.memref_slice %arg3[%run_scoped3A_93, %dma_wait3A_112, %dma_wait3A_113] : memref<2x2500x128xi32, #tpu.memory_space<hbm>> -> memref<1x20x128xi32, #tpu.memory_space<hbm>>
        %dma_wait3A_115 = tpu.memref_squeeze %dma_wait3A_114 : memref<1x20x128xi32, #tpu.memory_space<hbm>> -> memref<20x128xi32, #tpu.memory_space<hbm>>
        %dma_wait3A_116 = arith.constant 0 : i32
        %dma_wait3A_117 = arith.constant 0 : i32
        %dma_wait3A_118 = tpu.memref_slice %arg9[%dma_wait3A_116, %dma_wait3A_117] : memref<80x128xi32, #tpu.memory_space<vmem>> -> memref<20x128xi32, #tpu.memory_space<vmem>>
        %dma_wait3A_119 = arith.constant 2480 : i32
        %dma_wait3A_120 = arith.constant 0 : i32
        %dma_wait3A_121 = tpu.memref_slice %arg3[%run_scoped3A_93, %dma_wait3A_119, %dma_wait3A_120] : memref<2x2500x128xi32, #tpu.memory_space<hbm>> -> memref<1x20x128xi32, #tpu.memory_space<hbm>>
        %dma_wait3A_122 = tpu.memref_squeeze %dma_wait3A_121 : memref<1x20x128xi32, #tpu.memory_space<hbm>> -> memref<20x128xi32, #tpu.memory_space<hbm>>
        tpu.wait_dma2 semaphore(%run_scoped3A_94 : memref<!tpu.dma_semaphore, #tpu.memory_space<semaphore_mem>>) src(%dma_wait3A_122 : memref<20x128xi32, #tpu.memory_space<hbm>>) dst(%dma_wait3A_118 : memref<20x128xi32, #tpu.memory_space<vmem>>)
        tpu.yield
      }) : () -> ()
      "tpu.region"() ({
        %run_scoped3A_94 = tpu.sem_alloc : memref<!tpu.dma_semaphore, #tpu.memory_space<semaphore_mem>>
        %dma_start3A_95 = arith.constant 20 : i32
        %dma_start3A_96 = arith.constant 0 : i32
        %dma_start3A_97 = tpu.memref_slice %arg8[%dma_start3A_95, %dma_start3A_96] : memref<80x128xi32, #tpu.memory_space<vmem>> -> memref<60x128xi32, #tpu.memory_space<vmem>>
        %dma_start3A_98 = arith.constant 20 : i32
        %dma_start3A_99 = arith.constant 0 : i32
        %dma_start3A_100 = tpu.memref_slice %arg8[%dma_start3A_98, %dma_start3A_99] : memref<80x128xi32, #tpu.memory_space<vmem>> -> memref<60x128xi32, #tpu.memory_space<vmem>>
        tpu.enqueue_dma source(%arg4 : memref<60x128xi32, #tpu.memory_space<hbm>>) target(%dma_start3A_100 : memref<60x128xi32, #tpu.memory_space<vmem>>) target_semaphore(%run_scoped3A_94 : memref<!tpu.dma_semaphore, #tpu.memory_space<semaphore_mem>>)
        %dma_wait3A_101 = arith.constant 20 : i32
        %dma_wait3A_102 = arith.constant 0 : i32
        %dma_wait3A_103 = tpu.memref_slice %arg8[%dma_wait3A_101, %dma_wait3A_102] : memref<80x128xi32, #tpu.memory_space<vmem>> -> memref<60x128xi32, #tpu.memory_space<vmem>>
        %dma_wait3A_104 = arith.constant 20 : i32
        %dma_wait3A_105 = arith.constant 0 : i32
        %dma_wait3A_106 = tpu.memref_slice %arg8[%dma_wait3A_104, %dma_wait3A_105] : memref<80x128xi32, #tpu.memory_space<vmem>> -> memref<60x128xi32, #tpu.memory_space<vmem>>
        tpu.wait_dma2 semaphore(%run_scoped3A_94 : memref<!tpu.dma_semaphore, #tpu.memory_space<semaphore_mem>>) src(%arg4 : memref<60x128xi32, #tpu.memory_space<hbm>>) dst(%dma_wait3A_106 : memref<60x128xi32, #tpu.memory_space<vmem>>)
        tpu.yield
      }) : () -> ()
      "tpu.region"() ({
        %run_scoped3A_94 = tpu.sem_alloc : memref<!tpu.dma_semaphore, #tpu.memory_space<semaphore_mem>>
        %dma_start3A_95 = arith.constant 20 : i32
        %dma_start3A_96 = arith.constant 0 : i32
        %dma_start3A_97 = tpu.memref_slice %arg9[%dma_start3A_95, %dma_start3A_96] : memref<80x128xi32, #tpu.memory_space<vmem>> -> memref<60x128xi32, #tpu.memory_space<vmem>>
        %dma_start3A_98 = arith.constant 20 : i32
        %dma_start3A_99 = arith.constant 0 : i32
        %dma_start3A_100 = tpu.memref_slice %arg9[%dma_start3A_98, %dma_start3A_99] : memref<80x128xi32, #tpu.memory_space<vmem>> -> memref<60x128xi32, #tpu.memory_space<vmem>>
        tpu.enqueue_dma source(%arg5 : memref<60x128xi32, #tpu.memory_space<hbm>>) target(%dma_start3A_100 : memref<60x128xi32, #tpu.memory_space<vmem>>) target_semaphore(%run_scoped3A_94 : memref<!tpu.dma_semaphore, #tpu.memory_space<semaphore_mem>>)
        %dma_wait3A_101 = arith.constant 20 : i32
        %dma_wait3A_102 = arith.constant 0 : i32
        %dma_wait3A_103 = tpu.memref_slice %arg9[%dma_wait3A_101, %dma_wait3A_102] : memref<80x128xi32, #tpu.memory_space<vmem>> -> memref<60x128xi32, #tpu.memory_space<vmem>>
        %dma_wait3A_104 = arith.constant 20 : i32
        %dma_wait3A_105 = arith.constant 0 : i32
        %dma_wait3A_106 = tpu.memref_slice %arg9[%dma_wait3A_104, %dma_wait3A_105] : memref<80x128xi32, #tpu.memory_space<vmem>> -> memref<60x128xi32, #tpu.memory_space<vmem>>
        tpu.wait_dma2 semaphore(%run_scoped3A_94 : memref<!tpu.dma_semaphore, #tpu.memory_space<semaphore_mem>>) src(%arg5 : memref<60x128xi32, #tpu.memory_space<hbm>>) dst(%dma_wait3A_106 : memref<60x128xi32, #tpu.memory_space<vmem>>)
        tpu.yield
      }) : () -> ()
    } else {
    }
    %dma_start3A = arith.constant 0 : i32
    %dma_start3A_7 = arith.constant 0 : i32
    %dma_start3A_8 = tpu.memref_slice %arg8[%dma_start3A, %dma_start3A_7] : memref<80x128xi32, #tpu.memory_space<vmem>> -> memref<1x128xi32, #tpu.memory_space<vmem>>
    %dma_start3A_9 = tpu.memref_squeeze %dma_start3A_8 : memref<1x128xi32, #tpu.memory_space<vmem>> -> memref<128xi32, #tpu.memory_space<vmem>>
    %dma_start3A_10 = arith.constant 0 : i32
    %dma_start3A_11 = arith.constant 0 : i32
    %dma_start3A_12 = tpu.memref_slice %arg2[%dma_start3A_10, %dma_start3A_11] : memref<12048x128xbf16, #tpu.memory_space<hbm>> -> memref<12048x128xbf16, #tpu.memory_space<hbm>>
    tpu.enqueue_indirect_dma source(%dma_start3A_12 : memref<12048x128xbf16, #tpu.memory_space<hbm>>) target(%arg10 : memref<128x128xbf16, #tpu.memory_space<vmem>>) offsets(%dma_start3A_9 : memref<128xi32, #tpu.memory_space<vmem>>) semaphore(%arg15 : memref<!tpu.dma_semaphore, #tpu.memory_space<semaphore_mem>>)
    %dma_start3A_13 = arith.constant 1 : i32
    %dma_start3A_14 = arith.constant 0 : i32
    %dma_start3A_15 = tpu.memref_slice %arg8[%dma_start3A_13, %dma_start3A_14] : memref<80x128xi32, #tpu.memory_space<vmem>> -> memref<1x128xi32, #tpu.memory_space<vmem>>
    %dma_start3A_16 = tpu.memref_squeeze %dma_start3A_15 : memref<1x128xi32, #tpu.memory_space<vmem>> -> memref<128xi32, #tpu.memory_space<vmem>>
    %dma_start3A_17 = arith.constant 0 : i32
    %dma_start3A_18 = arith.constant 0 : i32
    %dma_start3A_19 = tpu.memref_slice %arg2[%dma_start3A_17, %dma_start3A_18] : memref<12048x128xbf16, #tpu.memory_space<hbm>> -> memref<12048x128xbf16, #tpu.memory_space<hbm>>
    tpu.enqueue_indirect_dma source(%dma_start3A_19 : memref<12048x128xbf16, #tpu.memory_space<hbm>>) target(%arg11 : memref<128x128xbf16, #tpu.memory_space<vmem>>) offsets(%dma_start3A_16 : memref<128xi32, #tpu.memory_space<vmem>>) semaphore(%arg16 : memref<!tpu.dma_semaphore, #tpu.memory_space<semaphore_mem>>)
    %dma_start3A_20 = arith.constant 2 : i32
    %dma_start3A_21 = arith.constant 0 : i32
    %dma_start3A_22 = tpu.memref_slice %arg8[%dma_start3A_20, %dma_start3A_21] : memref<80x128xi32, #tpu.memory_space<vmem>> -> memref<1x128xi32, #tpu.memory_space<vmem>>
    %dma_start3A_23 = tpu.memref_squeeze %dma_start3A_22 : memref<1x128xi32, #tpu.memory_space<vmem>> -> memref<128xi32, #tpu.memory_space<vmem>>
    %dma_start3A_24 = arith.constant 0 : i32
    %dma_start3A_25 = arith.constant 0 : i32
    %dma_start3A_26 = tpu.memref_slice %arg2[%dma_start3A_24, %dma_start3A_25] : memref<12048x128xbf16, #tpu.memory_space<hbm>> -> memref<12048x128xbf16, #tpu.memory_space<hbm>>
    tpu.enqueue_indirect_dma source(%dma_start3A_26 : memref<12048x128xbf16, #tpu.memory_space<hbm>>) target(%arg12 : memref<128x128xbf16, #tpu.memory_space<vmem>>) offsets(%dma_start3A_23 : memref<128xi32, #tpu.memory_space<vmem>>) semaphore(%arg17 : memref<!tpu.dma_semaphore, #tpu.memory_space<semaphore_mem>>)
    %dma_start3A_27 = arith.constant 3 : i32
    %dma_start3A_28 = arith.constant 0 : i32
    %dma_start3A_29 = tpu.memref_slice %arg8[%dma_start3A_27, %dma_start3A_28] : memref<80x128xi32, #tpu.memory_space<vmem>> -> memref<1x128xi32, #tpu.memory_space<vmem>>
    %dma_start3A_30 = tpu.memref_squeeze %dma_start3A_29 : memref<1x128xi32, #tpu.memory_space<vmem>> -> memref<128xi32, #tpu.memory_space<vmem>>
    %dma_start3A_31 = arith.constant 0 : i32
    %dma_start3A_32 = arith.constant 0 : i32
    %dma_start3A_33 = tpu.memref_slice %arg2[%dma_start3A_31, %dma_start3A_32] : memref<12048x128xbf16, #tpu.memory_space<hbm>> -> memref<12048x128xbf16, #tpu.memory_space<hbm>>
    tpu.enqueue_indirect_dma source(%dma_start3A_33 : memref<12048x128xbf16, #tpu.memory_space<hbm>>) target(%arg13 : memref<128x128xbf16, #tpu.memory_space<vmem>>) offsets(%dma_start3A_30 : memref<128xi32, #tpu.memory_space<vmem>>) semaphore(%arg18 : memref<!tpu.dma_semaphore, #tpu.memory_space<semaphore_mem>>)
    %mul3A_34 = arith.constant 624 : i32
    %mul3A_35 = arith.muli %arg1, %mul3A_34 : i32
    %multiple_of3A = tpu.assume_multiple %mul3A_35, 8 : i32
    %lt3A_36 = arith.constant 15 : i32
    %lt3A_37 = arith.cmpi slt, %arg1, %lt3A_36 : i32
    %convert_element_type3A_38 = arith.extui %lt3A_37 : i1 to i32
    %cond3A_39 = arith.constant 0 : i32
    %cond3A_40 = arith.cmpi ne, %convert_element_type3A_38, %cond3A_39 : i32
    scf.if %cond3A_40 {
      "tpu.region"() ({
        %run_scoped3A_92 = tpu.sem_alloc : memref<!tpu.dma_semaphore, #tpu.memory_space<semaphore_mem>>
        %dma_start3A_93 = arith.constant 0 : i32
        %dma_start3A_94 = tpu.memref_slice %arg14[%multiple_of3A, %dma_start3A_93] : memref<10000x128xbf16, #tpu.memory_space<vmem_shared>> -> memref<624x128xbf16, #tpu.memory_space<vmem_shared>>
        %dma_start3A_95 = arith.constant 0 : i32
        %dma_start3A_96 = arith.constant 0 : i32
        %dma_start3A_97 = tpu.memref_slice %arg6[%dma_start3A_95, %dma_start3A_96] : memref<640x128xbf16, #tpu.memory_space<hbm>> -> memref<624x128xbf16, #tpu.memory_space<hbm>>
        tpu.enqueue_dma source(%dma_start3A_97 : memref<624x128xbf16, #tpu.memory_space<hbm>>) target(%dma_start3A_94 : memref<624x128xbf16, #tpu.memory_space<vmem_shared>>) target_semaphore(%run_scoped3A_92 : memref<!tpu.dma_semaphore, #tpu.memory_space<semaphore_mem>>)
        %dma_wait3A_98 = arith.constant 0 : i32
        %dma_wait3A_99 = tpu.memref_slice %arg14[%multiple_of3A, %dma_wait3A_98] : memref<10000x128xbf16, #tpu.memory_space<vmem_shared>> -> memref<624x128xbf16, #tpu.memory_space<vmem_shared>>
        %dma_wait3A_100 = arith.constant 0 : i32
        %dma_wait3A_101 = arith.constant 0 : i32
        %dma_wait3A_102 = tpu.memref_slice %arg6[%dma_wait3A_100, %dma_wait3A_101] : memref<640x128xbf16, #tpu.memory_space<hbm>> -> memref<624x128xbf16, #tpu.memory_space<hbm>>
        tpu.wait_dma2 semaphore(%run_scoped3A_92 : memref<!tpu.dma_semaphore, #tpu.memory_space<semaphore_mem>>) src(%dma_wait3A_102 : memref<624x128xbf16, #tpu.memory_space<hbm>>) dst(%dma_wait3A_99 : memref<624x128xbf16, #tpu.memory_space<vmem_shared>>)
        tpu.yield
      }) : () -> ()
    } else {
    }
    %eq3A_41 = arith.constant 15 : i32
    %eq3A_42 = arith.cmpi eq, %arg1, %eq3A_41 : i32
    %convert_element_type3A_43 = arith.extui %eq3A_42 : i1 to i32
    %cond3A_44 = arith.constant 0 : i32
    %cond3A_45 = arith.cmpi ne, %convert_element_type3A_43, %cond3A_44 : i32
    scf.if %cond3A_45 {
      "tpu.region"() ({
        %run_scoped3A_92 = tpu.sem_alloc : memref<!tpu.dma_semaphore, #tpu.memory_space<semaphore_mem>>
        %dma_start3A_93 = arith.constant 0 : i32
        %dma_start3A_94 = tpu.memref_slice %arg14[%multiple_of3A, %dma_start3A_93] : memref<10000x128xbf16, #tpu.memory_space<vmem_shared>> -> memref<640x128xbf16, #tpu.memory_space<vmem_shared>>
        tpu.enqueue_dma source(%arg6 : memref<640x128xbf16, #tpu.memory_space<hbm>>) target(%dma_start3A_94 : memref<640x128xbf16, #tpu.memory_space<vmem_shared>>) target_semaphore(%run_scoped3A_92 : memref<!tpu.dma_semaphore, #tpu.memory_space<semaphore_mem>>)
        %dma_wait3A_95 = arith.constant 0 : i32
        %dma_wait3A_96 = tpu.memref_slice %arg14[%multiple_of3A, %dma_wait3A_95] : memref<10000x128xbf16, #tpu.memory_space<vmem_shared>> -> memref<640x128xbf16, #tpu.memory_space<vmem_shared>>
        tpu.wait_dma2 semaphore(%run_scoped3A_92 : memref<!tpu.dma_semaphore, #tpu.memory_space<semaphore_mem>>) src(%arg6 : memref<640x128xbf16, #tpu.memory_space<hbm>>) dst(%dma_wait3A_96 : memref<640x128xbf16, #tpu.memory_space<vmem_shared>>)
        tpu.yield
      }) : () -> ()
    } else {
    }
    %barrier3A = arith.constant 0 : index
    tpu.barrier barrier_id(%barrier3A)
    %scan3A = arith.constant 0 : i32
    %scan3A_46 = arith.constant 0 : i32
    %scan3A_47 = arith.constant 19 : i32
    %scan3A_48 = arith.addi %scan3A_46, %scan3A_47 : i32
    %scan3A_49 = arith.constant 1 : i32
    scf.for %scan3A_92 = %scan3A_46 to %scan3A_48 step %scan3A_49  : i32 {
      %mul3A_93 = arith.constant 4 : i32
      %mul3A_94 = arith.muli %scan3A_92, %mul3A_93 : i32
      %add3A_95 = arith.constant 0 : i32
      %add3A_96 = arith.addi %mul3A_94, %add3A_95 : i32
      %dma_wait3A_97 = arith.constant 0 : i32
      %dma_wait3A_98 = tpu.memref_slice %arg8[%add3A_96, %dma_wait3A_97] : memref<80x128xi32, #tpu.memory_space<vmem>> -> memref<1x128xi32, #tpu.memory_space<vmem>>
      %dma_wait3A_99 = tpu.memref_squeeze %dma_wait3A_98 : memref<1x128xi32, #tpu.memory_space<vmem>> -> memref<128xi32, #tpu.memory_space<vmem>>
      %dma_wait3A_100 = arith.constant 0 : i32
      %dma_wait3A_101 = arith.constant 0 : i32
      %dma_wait3A_102 = tpu.memref_slice %arg2[%dma_wait3A_100, %dma_wait3A_101] : memref<12048x128xbf16, #tpu.memory_space<hbm>> -> memref<12048x128xbf16, #tpu.memory_space<hbm>>
      tpu.wait_indirect_dma semaphore(%arg15 : memref<!tpu.dma_semaphore, #tpu.memory_space<semaphore_mem>>) src(%dma_wait3A_102 : memref<12048x128xbf16, #tpu.memory_space<hbm>>) dst(%arg10 : memref<128x128xbf16, #tpu.memory_space<vmem>>)
      "tpu.region"() ({
        %run_scoped3A_165 = tpu.sem_alloc : memref<!tpu.dma_semaphore, #tpu.memory_space<semaphore_mem>>
        %dma_start3A_166 = arith.constant 0 : i32
        %dma_start3A_167 = tpu.memref_slice %arg9[%add3A_96, %dma_start3A_166] : memref<80x128xi32, #tpu.memory_space<vmem>> -> memref<1x128xi32, #tpu.memory_space<vmem>>
        %dma_start3A_168 = tpu.memref_squeeze %dma_start3A_167 : memref<1x128xi32, #tpu.memory_space<vmem>> -> memref<128xi32, #tpu.memory_space<vmem>>
        %dma_start3A_169 = arith.constant 0 : i32
        %dma_start3A_170 = arith.constant 0 : i32
        %dma_start3A_171 = tpu.memref_slice %arg14[%dma_start3A_169, %dma_start3A_170] : memref<10000x128xbf16, #tpu.memory_space<vmem_shared>> -> memref<10000x128xbf16, #tpu.memory_space<vmem_shared>>
        tpu.enqueue_indirect_dma source(%arg10 : memref<128x128xbf16, #tpu.memory_space<vmem>>) target(%dma_start3A_171 : memref<10000x128xbf16, #tpu.memory_space<vmem_shared>>) offsets(%dma_start3A_168 : memref<128xi32, #tpu.memory_space<vmem>>) semaphore(%run_scoped3A_165 : memref<!tpu.dma_semaphore, #tpu.memory_space<semaphore_mem>>) {add = true}
        %dma_wait3A_172 = arith.constant 0 : i32
        %dma_wait3A_173 = tpu.memref_slice %arg9[%add3A_96, %dma_wait3A_172] : memref<80x128xi32, #tpu.memory_space<vmem>> -> memref<1x128xi32, #tpu.memory_space<vmem>>
        %dma_wait3A_174 = tpu.memref_squeeze %dma_wait3A_173 : memref<1x128xi32, #tpu.memory_space<vmem>> -> memref<128xi32, #tpu.memory_space<vmem>>
        %dma_wait3A_175 = arith.constant 0 : i32
        %dma_wait3A_176 = arith.constant 0 : i32
        %dma_wait3A_177 = tpu.memref_slice %arg14[%dma_wait3A_175, %dma_wait3A_176] : memref<10000x128xbf16, #tpu.memory_space<vmem_shared>> -> memref<10000x128xbf16, #tpu.memory_space<vmem_shared>>
        tpu.wait_indirect_dma semaphore(%run_scoped3A_165 : memref<!tpu.dma_semaphore, #tpu.memory_space<semaphore_mem>>) src(%arg10 : memref<128x128xbf16, #tpu.memory_space<vmem>>) dst(%dma_wait3A_177 : memref<10000x128xbf16, #tpu.memory_space<vmem_shared>>)
        tpu.yield
      }) : () -> ()
      %add3A_103 = arith.constant 4 : i32
      %add3A_104 = arith.addi %add3A_96, %add3A_103 : i32
      %dma_start3A_105 = arith.constant 0 : i32
      %dma_start3A_106 = tpu.memref_slice %arg8[%add3A_104, %dma_start3A_105] : memref<80x128xi32, #tpu.memory_space<vmem>> -> memref<1x128xi32, #tpu.memory_space<vmem>>
      %dma_start3A_107 = tpu.memref_squeeze %dma_start3A_106 : memref<1x128xi32, #tpu.memory_space<vmem>> -> memref<128xi32, #tpu.memory_space<vmem>>
      %dma_start3A_108 = arith.constant 0 : i32
      %dma_start3A_109 = arith.constant 0 : i32
      %dma_start3A_110 = tpu.memref_slice %arg2[%dma_start3A_108, %dma_start3A_109] : memref<12048x128xbf16, #tpu.memory_space<hbm>> -> memref<12048x128xbf16, #tpu.memory_space<hbm>>
      tpu.enqueue_indirect_dma source(%dma_start3A_110 : memref<12048x128xbf16, #tpu.memory_space<hbm>>) target(%arg10 : memref<128x128xbf16, #tpu.memory_space<vmem>>) offsets(%dma_start3A_107 : memref<128xi32, #tpu.memory_space<vmem>>) semaphore(%arg15 : memref<!tpu.dma_semaphore, #tpu.memory_space<semaphore_mem>>)
      %mul3A_111 = arith.constant 4 : i32
      %mul3A_112 = arith.muli %scan3A_92, %mul3A_111 : i32
      %add3A_113 = arith.constant 1 : i32
      %add3A_114 = arith.addi %mul3A_112, %add3A_113 : i32
      %dma_wait3A_115 = arith.constant 0 : i32
      %dma_wait3A_116 = tpu.memref_slice %arg8[%add3A_114, %dma_wait3A_115] : memref<80x128xi32, #tpu.memory_space<vmem>> -> memref<1x128xi32, #tpu.memory_space<vmem>>
      %dma_wait3A_117 = tpu.memref_squeeze %dma_wait3A_116 : memref<1x128xi32, #tpu.memory_space<vmem>> -> memref<128xi32, #tpu.memory_space<vmem>>
      %dma_wait3A_118 = arith.constant 0 : i32
      %dma_wait3A_119 = arith.constant 0 : i32
      %dma_wait3A_120 = tpu.memref_slice %arg2[%dma_wait3A_118, %dma_wait3A_119] : memref<12048x128xbf16, #tpu.memory_space<hbm>> -> memref<12048x128xbf16, #tpu.memory_space<hbm>>
      tpu.wait_indirect_dma semaphore(%arg16 : memref<!tpu.dma_semaphore, #tpu.memory_space<semaphore_mem>>) src(%dma_wait3A_120 : memref<12048x128xbf16, #tpu.memory_space<hbm>>) dst(%arg11 : memref<128x128xbf16, #tpu.memory_space<vmem>>)
      "tpu.region"() ({
        %run_scoped3A_165 = tpu.sem_alloc : memref<!tpu.dma_semaphore, #tpu.memory_space<semaphore_mem>>
        %dma_start3A_166 = arith.constant 0 : i32
        %dma_start3A_167 = tpu.memref_slice %arg9[%add3A_114, %dma_start3A_166] : memref<80x128xi32, #tpu.memory_space<vmem>> -> memref<1x128xi32, #tpu.memory_space<vmem>>
        %dma_start3A_168 = tpu.memref_squeeze %dma_start3A_167 : memref<1x128xi32, #tpu.memory_space<vmem>> -> memref<128xi32, #tpu.memory_space<vmem>>
        %dma_start3A_169 = arith.constant 0 : i32
        %dma_start3A_170 = arith.constant 0 : i32
        %dma_start3A_171 = tpu.memref_slice %arg14[%dma_start3A_169, %dma_start3A_170] : memref<10000x128xbf16, #tpu.memory_space<vmem_shared>> -> memref<10000x128xbf16, #tpu.memory_space<vmem_shared>>
        tpu.enqueue_indirect_dma source(%arg11 : memref<128x128xbf16, #tpu.memory_space<vmem>>) target(%dma_start3A_171 : memref<10000x128xbf16, #tpu.memory_space<vmem_shared>>) offsets(%dma_start3A_168 : memref<128xi32, #tpu.memory_space<vmem>>) semaphore(%run_scoped3A_165 : memref<!tpu.dma_semaphore, #tpu.memory_space<semaphore_mem>>) {add = true}
        %dma_wait3A_172 = arith.constant 0 : i32
        %dma_wait3A_173 = tpu.memref_slice %arg9[%add3A_114, %dma_wait3A_172] : memref<80x128xi32, #tpu.memory_space<vmem>> -> memref<1x128xi32, #tpu.memory_space<vmem>>
        %dma_wait3A_174 = tpu.memref_squeeze %dma_wait3A_173 : memref<1x128xi32, #tpu.memory_space<vmem>> -> memref<128xi32, #tpu.memory_space<vmem>>
        %dma_wait3A_175 = arith.constant 0 : i32
        %dma_wait3A_176 = arith.constant 0 : i32
        %dma_wait3A_177 = tpu.memref_slice %arg14[%dma_wait3A_175, %dma_wait3A_176] : memref<10000x128xbf16, #tpu.memory_space<vmem_shared>> -> memref<10000x128xbf16, #tpu.memory_space<vmem_shared>>
        tpu.wait_indirect_dma semaphore(%run_scoped3A_165 : memref<!tpu.dma_semaphore, #tpu.memory_space<semaphore_mem>>) src(%arg11 : memref<128x128xbf16, #tpu.memory_space<vmem>>) dst(%dma_wait3A_177 : memref<10000x128xbf16, #tpu.memory_space<vmem_shared>>)
        tpu.yield
      }) : () -> ()
      %add3A_121 = arith.constant 4 : i32
      %add3A_122 = arith.addi %add3A_114, %add3A_121 : i32
      %dma_start3A_123 = arith.constant 0 : i32
      %dma_start3A_124 = tpu.memref_slice %arg8[%add3A_122, %dma_start3A_123] : memref<80x128xi32, #tpu.memory_space<vmem>> -> memref<1x128xi32, #tpu.memory_space<vmem>>
      %dma_start3A_125 = tpu.memref_squeeze %dma_start3A_124 : memref<1x128xi32, #tpu.memory_space<vmem>> -> memref<128xi32, #tpu.memory_space<vmem>>
      %dma_start3A_126 = arith.constant 0 : i32
      %dma_start3A_127 = arith.constant 0 : i32
      %dma_start3A_128 = tpu.memref_slice %arg2[%dma_start3A_126, %dma_start3A_127] : memref<12048x128xbf16, #tpu.memory_space<hbm>> -> memref<12048x128xbf16, #tpu.memory_space<hbm>>
      tpu.enqueue_indirect_dma source(%dma_start3A_128 : memref<12048x128xbf16, #tpu.memory_space<hbm>>) target(%arg11 : memref<128x128xbf16, #tpu.memory_space<vmem>>) offsets(%dma_start3A_125 : memref<128xi32, #tpu.memory_space<vmem>>) semaphore(%arg16 : memref<!tpu.dma_semaphore, #tpu.memory_space<semaphore_mem>>)
      %mul3A_129 = arith.constant 4 : i32
      %mul3A_130 = arith.muli %scan3A_92, %mul3A_129 : i32
      %add3A_131 = arith.constant 2 : i32
      %add3A_132 = arith.addi %mul3A_130, %add3A_131 : i32
      %dma_wait3A_133 = arith.constant 0 : i32
      %dma_wait3A_134 = tpu.memref_slice %arg8[%add3A_132, %dma_wait3A_133] : memref<80x128xi32, #tpu.memory_space<vmem>> -> memref<1x128xi32, #tpu.memory_space<vmem>>
      %dma_wait3A_135 = tpu.memref_squeeze %dma_wait3A_134 : memref<1x128xi32, #tpu.memory_space<vmem>> -> memref<128xi32, #tpu.memory_space<vmem>>
      %dma_wait3A_136 = arith.constant 0 : i32
      %dma_wait3A_137 = arith.constant 0 : i32
      %dma_wait3A_138 = tpu.memref_slice %arg2[%dma_wait3A_136, %dma_wait3A_137] : memref<12048x128xbf16, #tpu.memory_space<hbm>> -> memref<12048x128xbf16, #tpu.memory_space<hbm>>
      tpu.wait_indirect_dma semaphore(%arg17 : memref<!tpu.dma_semaphore, #tpu.memory_space<semaphore_mem>>) src(%dma_wait3A_138 : memref<12048x128xbf16, #tpu.memory_space<hbm>>) dst(%arg12 : memref<128x128xbf16, #tpu.memory_space<vmem>>)
      "tpu.region"() ({
        %run_scoped3A_165 = tpu.sem_alloc : memref<!tpu.dma_semaphore, #tpu.memory_space<semaphore_mem>>
        %dma_start3A_166 = arith.constant 0 : i32
        %dma_start3A_167 = tpu.memref_slice %arg9[%add3A_132, %dma_start3A_166] : memref<80x128xi32, #tpu.memory_space<vmem>> -> memref<1x128xi32, #tpu.memory_space<vmem>>
        %dma_start3A_168 = tpu.memref_squeeze %dma_start3A_167 : memref<1x128xi32, #tpu.memory_space<vmem>> -> memref<128xi32, #tpu.memory_space<vmem>>
        %dma_start3A_169 = arith.constant 0 : i32
        %dma_start3A_170 = arith.constant 0 : i32
        %dma_start3A_171 = tpu.memref_slice %arg14[%dma_start3A_169, %dma_start3A_170] : memref<10000x128xbf16, #tpu.memory_space<vmem_shared>> -> memref<10000x128xbf16, #tpu.memory_space<vmem_shared>>
        tpu.enqueue_indirect_dma source(%arg12 : memref<128x128xbf16, #tpu.memory_space<vmem>>) target(%dma_start3A_171 : memref<10000x128xbf16, #tpu.memory_space<vmem_shared>>) offsets(%dma_start3A_168 : memref<128xi32, #tpu.memory_space<vmem>>) semaphore(%run_scoped3A_165 : memref<!tpu.dma_semaphore, #tpu.memory_space<semaphore_mem>>) {add = true}
        %dma_wait3A_172 = arith.constant 0 : i32
        %dma_wait3A_173 = tpu.memref_slice %arg9[%add3A_132, %dma_wait3A_172] : memref<80x128xi32, #tpu.memory_space<vmem>> -> memref<1x128xi32, #tpu.memory_space<vmem>>
        %dma_wait3A_174 = tpu.memref_squeeze %dma_wait3A_173 : memref<1x128xi32, #tpu.memory_space<vmem>> -> memref<128xi32, #tpu.memory_space<vmem>>
        %dma_wait3A_175 = arith.constant 0 : i32
        %dma_wait3A_176 = arith.constant 0 : i32
        %dma_wait3A_177 = tpu.memref_slice %arg14[%dma_wait3A_175, %dma_wait3A_176] : memref<10000x128xbf16, #tpu.memory_space<vmem_shared>> -> memref<10000x128xbf16, #tpu.memory_space<vmem_shared>>
        tpu.wait_indirect_dma semaphore(%run_scoped3A_165 : memref<!tpu.dma_semaphore, #tpu.memory_space<semaphore_mem>>) src(%arg12 : memref<128x128xbf16, #tpu.memory_space<vmem>>) dst(%dma_wait3A_177 : memref<10000x128xbf16, #tpu.memory_space<vmem_shared>>)
        tpu.yield
      }) : () -> ()
      %add3A_139 = arith.constant 4 : i32
      %add3A_140 = arith.addi %add3A_132, %add3A_139 : i32
      %dma_start3A_141 = arith.constant 0 : i32
      %dma_start3A_142 = tpu.memref_slice %arg8[%add3A_140, %dma_start3A_141] : memref<80x128xi32, #tpu.memory_space<vmem>> -> memref<1x128xi32, #tpu.memory_space<vmem>>
      %dma_start3A_143 = tpu.memref_squeeze %dma_start3A_142 : memref<1x128xi32, #tpu.memory_space<vmem>> -> memref<128xi32, #tpu.memory_space<vmem>>
      %dma_start3A_144 = arith.constant 0 : i32
      %dma_start3A_145 = arith.constant 0 : i32
      %dma_start3A_146 = tpu.memref_slice %arg2[%dma_start3A_144, %dma_start3A_145] : memref<12048x128xbf16, #tpu.memory_space<hbm>> -> memref<12048x128xbf16, #tpu.memory_space<hbm>>
      tpu.enqueue_indirect_dma source(%dma_start3A_146 : memref<12048x128xbf16, #tpu.memory_space<hbm>>) target(%arg12 : memref<128x128xbf16, #tpu.memory_space<vmem>>) offsets(%dma_start3A_143 : memref<128xi32, #tpu.memory_space<vmem>>) semaphore(%arg17 : memref<!tpu.dma_semaphore, #tpu.memory_space<semaphore_mem>>)
      %mul3A_147 = arith.constant 4 : i32
      %mul3A_148 = arith.muli %scan3A_92, %mul3A_147 : i32
      %add3A_149 = arith.constant 3 : i32
      %add3A_150 = arith.addi %mul3A_148, %add3A_149 : i32
      %dma_wait3A_151 = arith.constant 0 : i32
      %dma_wait3A_152 = tpu.memref_slice %arg8[%add3A_150, %dma_wait3A_151] : memref<80x128xi32, #tpu.memory_space<vmem>> -> memref<1x128xi32, #tpu.memory_space<vmem>>
      %dma_wait3A_153 = tpu.memref_squeeze %dma_wait3A_152 : memref<1x128xi32, #tpu.memory_space<vmem>> -> memref<128xi32, #tpu.memory_space<vmem>>
      %dma_wait3A_154 = arith.constant 0 : i32
      %dma_wait3A_155 = arith.constant 0 : i32
      %dma_wait3A_156 = tpu.memref_slice %arg2[%dma_wait3A_154, %dma_wait3A_155] : memref<12048x128xbf16, #tpu.memory_space<hbm>> -> memref<12048x128xbf16, #tpu.memory_space<hbm>>
      tpu.wait_indirect_dma semaphore(%arg18 : memref<!tpu.dma_semaphore, #tpu.memory_space<semaphore_mem>>) src(%dma_wait3A_156 : memref<12048x128xbf16, #tpu.memory_space<hbm>>) dst(%arg13 : memref<128x128xbf16, #tpu.memory_space<vmem>>)
      "tpu.region"() ({
        %run_scoped3A_165 = tpu.sem_alloc : memref<!tpu.dma_semaphore, #tpu.memory_space<semaphore_mem>>
        %dma_start3A_166 = arith.constant 0 : i32
        %dma_start3A_167 = tpu.memref_slice %arg9[%add3A_150, %dma_start3A_166] : memref<80x128xi32, #tpu.memory_space<vmem>> -> memref<1x128xi32, #tpu.memory_space<vmem>>
        %dma_start3A_168 = tpu.memref_squeeze %dma_start3A_167 : memref<1x128xi32, #tpu.memory_space<vmem>> -> memref<128xi32, #tpu.memory_space<vmem>>
        %dma_start3A_169 = arith.constant 0 : i32
        %dma_start3A_170 = arith.constant 0 : i32
        %dma_start3A_171 = tpu.memref_slice %arg14[%dma_start3A_169, %dma_start3A_170] : memref<10000x128xbf16, #tpu.memory_space<vmem_shared>> -> memref<10000x128xbf16, #tpu.memory_space<vmem_shared>>
        tpu.enqueue_indirect_dma source(%arg13 : memref<128x128xbf16, #tpu.memory_space<vmem>>) target(%dma_start3A_171 : memref<10000x128xbf16, #tpu.memory_space<vmem_shared>>) offsets(%dma_start3A_168 : memref<128xi32, #tpu.memory_space<vmem>>) semaphore(%run_scoped3A_165 : memref<!tpu.dma_semaphore, #tpu.memory_space<semaphore_mem>>) {add = true}
        %dma_wait3A_172 = arith.constant 0 : i32
        %dma_wait3A_173 = tpu.memref_slice %arg9[%add3A_150, %dma_wait3A_172] : memref<80x128xi32, #tpu.memory_space<vmem>> -> memref<1x128xi32, #tpu.memory_space<vmem>>
        %dma_wait3A_174 = tpu.memref_squeeze %dma_wait3A_173 : memref<1x128xi32, #tpu.memory_space<vmem>> -> memref<128xi32, #tpu.memory_space<vmem>>
        %dma_wait3A_175 = arith.constant 0 : i32
        %dma_wait3A_176 = arith.constant 0 : i32
        %dma_wait3A_177 = tpu.memref_slice %arg14[%dma_wait3A_175, %dma_wait3A_176] : memref<10000x128xbf16, #tpu.memory_space<vmem_shared>> -> memref<10000x128xbf16, #tpu.memory_space<vmem_shared>>
        tpu.wait_indirect_dma semaphore(%run_scoped3A_165 : memref<!tpu.dma_semaphore, #tpu.memory_space<semaphore_mem>>) src(%arg13 : memref<128x128xbf16, #tpu.memory_space<vmem>>) dst(%dma_wait3A_177 : memref<10000x128xbf16, #tpu.memory_space<vmem_shared>>)
        tpu.yield
      }) : () -> ()
      %add3A_157 = arith.constant 4 : i32
      %add3A_158 = arith.addi %add3A_150, %add3A_157 : i32
      %dma_start3A_159 = arith.constant 0 : i32
      %dma_start3A_160 = tpu.memref_slice %arg8[%add3A_158, %dma_start3A_159] : memref<80x128xi32, #tpu.memory_space<vmem>> -> memref<1x128xi32, #tpu.memory_space<vmem>>
      %dma_start3A_161 = tpu.memref_squeeze %dma_start3A_160 : memref<1x128xi32, #tpu.memory_space<vmem>> -> memref<128xi32, #tpu.memory_space<vmem>>
      %dma_start3A_162 = arith.constant 0 : i32
      %dma_start3A_163 = arith.constant 0 : i32
      %dma_start3A_164 = tpu.memref_slice %arg2[%dma_start3A_162, %dma_start3A_163] : memref<12048x128xbf16, #tpu.memory_space<hbm>> -> memref<12048x128xbf16, #tpu.memory_space<hbm>>
      tpu.enqueue_indirect_dma source(%dma_start3A_164 : memref<12048x128xbf16, #tpu.memory_space<hbm>>) target(%arg13 : memref<128x128xbf16, #tpu.memory_space<vmem>>) offsets(%dma_start3A_161 : memref<128xi32, #tpu.memory_space<vmem>>) semaphore(%arg18 : memref<!tpu.dma_semaphore, #tpu.memory_space<semaphore_mem>>)
    }
    %scan3A_50 = arith.constant 19 : i32
    %dma_wait3A = arith.constant 76 : i32
    %dma_wait3A_51 = arith.constant 0 : i32
    %dma_wait3A_52 = tpu.memref_slice %arg8[%dma_wait3A, %dma_wait3A_51] : memref<80x128xi32, #tpu.memory_space<vmem>> -> memref<1x128xi32, #tpu.memory_space<vmem>>
    %dma_wait3A_53 = tpu.memref_squeeze %dma_wait3A_52 : memref<1x128xi32, #tpu.memory_space<vmem>> -> memref<128xi32, #tpu.memory_space<vmem>>
    %dma_wait3A_54 = arith.constant 0 : i32
    %dma_wait3A_55 = arith.constant 0 : i32
    %dma_wait3A_56 = tpu.memref_slice %arg2[%dma_wait3A_54, %dma_wait3A_55] : memref<12048x128xbf16, #tpu.memory_space<hbm>> -> memref<12048x128xbf16, #tpu.memory_space<hbm>>
    tpu.wait_indirect_dma semaphore(%arg15 : memref<!tpu.dma_semaphore, #tpu.memory_space<semaphore_mem>>) src(%dma_wait3A_56 : memref<12048x128xbf16, #tpu.memory_space<hbm>>) dst(%arg10 : memref<128x128xbf16, #tpu.memory_space<vmem>>)
    %run_scoped3A = arith.constant 76 : i32
    "tpu.region"() ({
      %run_scoped3A_92 = tpu.sem_alloc : memref<!tpu.dma_semaphore, #tpu.memory_space<semaphore_mem>>
      %dma_start3A_93 = arith.constant 0 : i32
      %dma_start3A_94 = tpu.memref_slice %arg9[%run_scoped3A, %dma_start3A_93] : memref<80x128xi32, #tpu.memory_space<vmem>> -> memref<1x128xi32, #tpu.memory_space<vmem>>
      %dma_start3A_95 = tpu.memref_squeeze %dma_start3A_94 : memref<1x128xi32, #tpu.memory_space<vmem>> -> memref<128xi32, #tpu.memory_space<vmem>>
      %dma_start3A_96 = arith.constant 0 : i32
      %dma_start3A_97 = arith.constant 0 : i32
      %dma_start3A_98 = tpu.memref_slice %arg14[%dma_start3A_96, %dma_start3A_97] : memref<10000x128xbf16, #tpu.memory_space<vmem_shared>> -> memref<10000x128xbf16, #tpu.memory_space<vmem_shared>>
      tpu.enqueue_indirect_dma source(%arg10 : memref<128x128xbf16, #tpu.memory_space<vmem>>) target(%dma_start3A_98 : memref<10000x128xbf16, #tpu.memory_space<vmem_shared>>) offsets(%dma_start3A_95 : memref<128xi32, #tpu.memory_space<vmem>>) semaphore(%run_scoped3A_92 : memref<!tpu.dma_semaphore, #tpu.memory_space<semaphore_mem>>) {add = true}
      %dma_wait3A_99 = arith.constant 0 : i32
      %dma_wait3A_100 = tpu.memref_slice %arg9[%run_scoped3A, %dma_wait3A_99] : memref<80x128xi32, #tpu.memory_space<vmem>> -> memref<1x128xi32, #tpu.memory_space<vmem>>
      %dma_wait3A_101 = tpu.memref_squeeze %dma_wait3A_100 : memref<1x128xi32, #tpu.memory_space<vmem>> -> memref<128xi32, #tpu.memory_space<vmem>>
      %dma_wait3A_102 = arith.constant 0 : i32
      %dma_wait3A_103 = arith.constant 0 : i32
      %dma_wait3A_104 = tpu.memref_slice %arg14[%dma_wait3A_102, %dma_wait3A_103] : memref<10000x128xbf16, #tpu.memory_space<vmem_shared>> -> memref<10000x128xbf16, #tpu.memory_space<vmem_shared>>
      tpu.wait_indirect_dma semaphore(%run_scoped3A_92 : memref<!tpu.dma_semaphore, #tpu.memory_space<semaphore_mem>>) src(%arg10 : memref<128x128xbf16, #tpu.memory_space<vmem>>) dst(%dma_wait3A_104 : memref<10000x128xbf16, #tpu.memory_space<vmem_shared>>)
      tpu.yield
    }) : () -> ()
    %dma_wait3A_57 = arith.constant 77 : i32
    %dma_wait3A_58 = arith.constant 0 : i32
    %dma_wait3A_59 = tpu.memref_slice %arg8[%dma_wait3A_57, %dma_wait3A_58] : memref<80x128xi32, #tpu.memory_space<vmem>> -> memref<1x128xi32, #tpu.memory_space<vmem>>
    %dma_wait3A_60 = tpu.memref_squeeze %dma_wait3A_59 : memref<1x128xi32, #tpu.memory_space<vmem>> -> memref<128xi32, #tpu.memory_space<vmem>>
    %dma_wait3A_61 = arith.constant 0 : i32
    %dma_wait3A_62 = arith.constant 0 : i32
    %dma_wait3A_63 = tpu.memref_slice %arg2[%dma_wait3A_61, %dma_wait3A_62] : memref<12048x128xbf16, #tpu.memory_space<hbm>> -> memref<12048x128xbf16, #tpu.memory_space<hbm>>
    tpu.wait_indirect_dma semaphore(%arg16 : memref<!tpu.dma_semaphore, #tpu.memory_space<semaphore_mem>>) src(%dma_wait3A_63 : memref<12048x128xbf16, #tpu.memory_space<hbm>>) dst(%arg11 : memref<128x128xbf16, #tpu.memory_space<vmem>>)
    %run_scoped3A_64 = arith.constant 77 : i32
    "tpu.region"() ({
      %run_scoped3A_92 = tpu.sem_alloc : memref<!tpu.dma_semaphore, #tpu.memory_space<semaphore_mem>>
      %dma_start3A_93 = arith.constant 0 : i32
      %dma_start3A_94 = tpu.memref_slice %arg9[%run_scoped3A_64, %dma_start3A_93] : memref<80x128xi32, #tpu.memory_space<vmem>> -> memref<1x128xi32, #tpu.memory_space<vmem>>
      %dma_start3A_95 = tpu.memref_squeeze %dma_start3A_94 : memref<1x128xi32, #tpu.memory_space<vmem>> -> memref<128xi32, #tpu.memory_space<vmem>>
      %dma_start3A_96 = arith.constant 0 : i32
      %dma_start3A_97 = arith.constant 0 : i32
      %dma_start3A_98 = tpu.memref_slice %arg14[%dma_start3A_96, %dma_start3A_97] : memref<10000x128xbf16, #tpu.memory_space<vmem_shared>> -> memref<10000x128xbf16, #tpu.memory_space<vmem_shared>>
      tpu.enqueue_indirect_dma source(%arg11 : memref<128x128xbf16, #tpu.memory_space<vmem>>) target(%dma_start3A_98 : memref<10000x128xbf16, #tpu.memory_space<vmem_shared>>) offsets(%dma_start3A_95 : memref<128xi32, #tpu.memory_space<vmem>>) semaphore(%run_scoped3A_92 : memref<!tpu.dma_semaphore, #tpu.memory_space<semaphore_mem>>) {add = true}
      %dma_wait3A_99 = arith.constant 0 : i32
      %dma_wait3A_100 = tpu.memref_slice %arg9[%run_scoped3A_64, %dma_wait3A_99] : memref<80x128xi32, #tpu.memory_space<vmem>> -> memref<1x128xi32, #tpu.memory_space<vmem>>
      %dma_wait3A_101 = tpu.memref_squeeze %dma_wait3A_100 : memref<1x128xi32, #tpu.memory_space<vmem>> -> memref<128xi32, #tpu.memory_space<vmem>>
      %dma_wait3A_102 = arith.constant 0 : i32
      %dma_wait3A_103 = arith.constant 0 : i32
      %dma_wait3A_104 = tpu.memref_slice %arg14[%dma_wait3A_102, %dma_wait3A_103] : memref<10000x128xbf16, #tpu.memory_space<vmem_shared>> -> memref<10000x128xbf16, #tpu.memory_space<vmem_shared>>
      tpu.wait_indirect_dma semaphore(%run_scoped3A_92 : memref<!tpu.dma_semaphore, #tpu.memory_space<semaphore_mem>>) src(%arg11 : memref<128x128xbf16, #tpu.memory_space<vmem>>) dst(%dma_wait3A_104 : memref<10000x128xbf16, #tpu.memory_space<vmem_shared>>)
      tpu.yield
    }) : () -> ()
    %dma_wait3A_65 = arith.constant 78 : i32
    %dma_wait3A_66 = arith.constant 0 : i32
    %dma_wait3A_67 = tpu.memref_slice %arg8[%dma_wait3A_65, %dma_wait3A_66] : memref<80x128xi32, #tpu.memory_space<vmem>> -> memref<1x128xi32, #tpu.memory_space<vmem>>
    %dma_wait3A_68 = tpu.memref_squeeze %dma_wait3A_67 : memref<1x128xi32, #tpu.memory_space<vmem>> -> memref<128xi32, #tpu.memory_space<vmem>>
    %dma_wait3A_69 = arith.constant 0 : i32
    %dma_wait3A_70 = arith.constant 0 : i32
    %dma_wait3A_71 = tpu.memref_slice %arg2[%dma_wait3A_69, %dma_wait3A_70] : memref<12048x128xbf16, #tpu.memory_space<hbm>> -> memref<12048x128xbf16, #tpu.memory_space<hbm>>
    tpu.wait_indirect_dma semaphore(%arg17 : memref<!tpu.dma_semaphore, #tpu.memory_space<semaphore_mem>>) src(%dma_wait3A_71 : memref<12048x128xbf16, #tpu.memory_space<hbm>>) dst(%arg12 : memref<128x128xbf16, #tpu.memory_space<vmem>>)
    %run_scoped3A_72 = arith.constant 78 : i32
    "tpu.region"() ({
      %run_scoped3A_92 = tpu.sem_alloc : memref<!tpu.dma_semaphore, #tpu.memory_space<semaphore_mem>>
      %dma_start3A_93 = arith.constant 0 : i32
      %dma_start3A_94 = tpu.memref_slice %arg9[%run_scoped3A_72, %dma_start3A_93] : memref<80x128xi32, #tpu.memory_space<vmem>> -> memref<1x128xi32, #tpu.memory_space<vmem>>
      %dma_start3A_95 = tpu.memref_squeeze %dma_start3A_94 : memref<1x128xi32, #tpu.memory_space<vmem>> -> memref<128xi32, #tpu.memory_space<vmem>>
      %dma_start3A_96 = arith.constant 0 : i32
      %dma_start3A_97 = arith.constant 0 : i32
      %dma_start3A_98 = tpu.memref_slice %arg14[%dma_start3A_96, %dma_start3A_97] : memref<10000x128xbf16, #tpu.memory_space<vmem_shared>> -> memref<10000x128xbf16, #tpu.memory_space<vmem_shared>>
      tpu.enqueue_indirect_dma source(%arg12 : memref<128x128xbf16, #tpu.memory_space<vmem>>) target(%dma_start3A_98 : memref<10000x128xbf16, #tpu.memory_space<vmem_shared>>) offsets(%dma_start3A_95 : memref<128xi32, #tpu.memory_space<vmem>>) semaphore(%run_scoped3A_92 : memref<!tpu.dma_semaphore, #tpu.memory_space<semaphore_mem>>) {add = true}
      %dma_wait3A_99 = arith.constant 0 : i32
      %dma_wait3A_100 = tpu.memref_slice %arg9[%run_scoped3A_72, %dma_wait3A_99] : memref<80x128xi32, #tpu.memory_space<vmem>> -> memref<1x128xi32, #tpu.memory_space<vmem>>
      %dma_wait3A_101 = tpu.memref_squeeze %dma_wait3A_100 : memref<1x128xi32, #tpu.memory_space<vmem>> -> memref<128xi32, #tpu.memory_space<vmem>>
      %dma_wait3A_102 = arith.constant 0 : i32
      %dma_wait3A_103 = arith.constant 0 : i32
      %dma_wait3A_104 = tpu.memref_slice %arg14[%dma_wait3A_102, %dma_wait3A_103] : memref<10000x128xbf16, #tpu.memory_space<vmem_shared>> -> memref<10000x128xbf16, #tpu.memory_space<vmem_shared>>
      tpu.wait_indirect_dma semaphore(%run_scoped3A_92 : memref<!tpu.dma_semaphore, #tpu.memory_space<semaphore_mem>>) src(%arg12 : memref<128x128xbf16, #tpu.memory_space<vmem>>) dst(%dma_wait3A_104 : memref<10000x128xbf16, #tpu.memory_space<vmem_shared>>)
      tpu.yield
    }) : () -> ()
    %dma_wait3A_73 = arith.constant 79 : i32
    %dma_wait3A_74 = arith.constant 0 : i32
    %dma_wait3A_75 = tpu.memref_slice %arg8[%dma_wait3A_73, %dma_wait3A_74] : memref<80x128xi32, #tpu.memory_space<vmem>> -> memref<1x128xi32, #tpu.memory_space<vmem>>
    %dma_wait3A_76 = tpu.memref_squeeze %dma_wait3A_75 : memref<1x128xi32, #tpu.memory_space<vmem>> -> memref<128xi32, #tpu.memory_space<vmem>>
    %dma_wait3A_77 = arith.constant 0 : i32
    %dma_wait3A_78 = arith.constant 0 : i32
    %dma_wait3A_79 = tpu.memref_slice %arg2[%dma_wait3A_77, %dma_wait3A_78] : memref<12048x128xbf16, #tpu.memory_space<hbm>> -> memref<12048x128xbf16, #tpu.memory_space<hbm>>
    tpu.wait_indirect_dma semaphore(%arg18 : memref<!tpu.dma_semaphore, #tpu.memory_space<semaphore_mem>>) src(%dma_wait3A_79 : memref<12048x128xbf16, #tpu.memory_space<hbm>>) dst(%arg13 : memref<128x128xbf16, #tpu.memory_space<vmem>>)
    %run_scoped3A_80 = arith.constant 79 : i32
    "tpu.region"() ({
      %run_scoped3A_92 = tpu.sem_alloc : memref<!tpu.dma_semaphore, #tpu.memory_space<semaphore_mem>>
      %dma_start3A_93 = arith.constant 0 : i32
      %dma_start3A_94 = tpu.memref_slice %arg9[%run_scoped3A_80, %dma_start3A_93] : memref<80x128xi32, #tpu.memory_space<vmem>> -> memref<1x128xi32, #tpu.memory_space<vmem>>
      %dma_start3A_95 = tpu.memref_squeeze %dma_start3A_94 : memref<1x128xi32, #tpu.memory_space<vmem>> -> memref<128xi32, #tpu.memory_space<vmem>>
      %dma_start3A_96 = arith.constant 0 : i32
      %dma_start3A_97 = arith.constant 0 : i32
      %dma_start3A_98 = tpu.memref_slice %arg14[%dma_start3A_96, %dma_start3A_97] : memref<10000x128xbf16, #tpu.memory_space<vmem_shared>> -> memref<10000x128xbf16, #tpu.memory_space<vmem_shared>>
      tpu.enqueue_indirect_dma source(%arg13 : memref<128x128xbf16, #tpu.memory_space<vmem>>) target(%dma_start3A_98 : memref<10000x128xbf16, #tpu.memory_space<vmem_shared>>) offsets(%dma_start3A_95 : memref<128xi32, #tpu.memory_space<vmem>>) semaphore(%run_scoped3A_92 : memref<!tpu.dma_semaphore, #tpu.memory_space<semaphore_mem>>) {add = true}
      %dma_wait3A_99 = arith.constant 0 : i32
      %dma_wait3A_100 = tpu.memref_slice %arg9[%run_scoped3A_80, %dma_wait3A_99] : memref<80x128xi32, #tpu.memory_space<vmem>> -> memref<1x128xi32, #tpu.memory_space<vmem>>
      %dma_wait3A_101 = tpu.memref_squeeze %dma_wait3A_100 : memref<1x128xi32, #tpu.memory_space<vmem>> -> memref<128xi32, #tpu.memory_space<vmem>>
      %dma_wait3A_102 = arith.constant 0 : i32
      %dma_wait3A_103 = arith.constant 0 : i32
      %dma_wait3A_104 = tpu.memref_slice %arg14[%dma_wait3A_102, %dma_wait3A_103] : memref<10000x128xbf16, #tpu.memory_space<vmem_shared>> -> memref<10000x128xbf16, #tpu.memory_space<vmem_shared>>
      tpu.wait_indirect_dma semaphore(%run_scoped3A_92 : memref<!tpu.dma_semaphore, #tpu.memory_space<semaphore_mem>>) src(%arg13 : memref<128x128xbf16, #tpu.memory_space<vmem>>) dst(%dma_wait3A_104 : memref<10000x128xbf16, #tpu.memory_space<vmem_shared>>)
      tpu.yield
    }) : () -> ()
    %barrier3A_81 = arith.constant 0 : index
    tpu.barrier barrier_id(%barrier3A_81)
    %lt3A_82 = arith.constant 15 : i32
    %lt3A_83 = arith.cmpi slt, %arg1, %lt3A_82 : i32
    %convert_element_type3A_84 = arith.extui %lt3A_83 : i1 to i32
    %cond3A_85 = arith.constant 0 : i32
    %cond3A_86 = arith.cmpi ne, %convert_element_type3A_84, %cond3A_85 : i32
    scf.if %cond3A_86 {
      "tpu.region"() ({
        %run_scoped3A_92 = tpu.sem_alloc : memref<!tpu.dma_semaphore, #tpu.memory_space<semaphore_mem>>
        %dma_start3A_93 = arith.constant 0 : i32
        %dma_start3A_94 = tpu.memref_slice %arg7[%arg0, %multiple_of3A, %dma_start3A_93] : memref<2x10000x128xbf16, #tpu.memory_space<hbm>> -> memref<1x624x128xbf16, #tpu.memory_space<hbm>>
        %dma_start3A_95 = tpu.memref_squeeze %dma_start3A_94 : memref<1x624x128xbf16, #tpu.memory_space<hbm>> -> memref<624x128xbf16, #tpu.memory_space<hbm>>
        %dma_start3A_96 = arith.constant 0 : i32
        %dma_start3A_97 = tpu.memref_slice %arg14[%multiple_of3A, %dma_start3A_96] : memref<10000x128xbf16, #tpu.memory_space<vmem_shared>> -> memref<624x128xbf16, #tpu.memory_space<vmem_shared>>
        tpu.enqueue_dma source(%dma_start3A_97 : memref<624x128xbf16, #tpu.memory_space<vmem_shared>>) target(%dma_start3A_95 : memref<624x128xbf16, #tpu.memory_space<hbm>>) target_semaphore(%run_scoped3A_92 : memref<!tpu.dma_semaphore, #tpu.memory_space<semaphore_mem>>)
        %dma_wait3A_98 = arith.constant 0 : i32
        %dma_wait3A_99 = tpu.memref_slice %arg7[%arg0, %multiple_of3A, %dma_wait3A_98] : memref<2x10000x128xbf16, #tpu.memory_space<hbm>> -> memref<1x624x128xbf16, #tpu.memory_space<hbm>>
        %dma_wait3A_100 = tpu.memref_squeeze %dma_wait3A_99 : memref<1x624x128xbf16, #tpu.memory_space<hbm>> -> memref<624x128xbf16, #tpu.memory_space<hbm>>
        %dma_wait3A_101 = arith.constant 0 : i32
        %dma_wait3A_102 = tpu.memref_slice %arg14[%multiple_of3A, %dma_wait3A_101] : memref<10000x128xbf16, #tpu.memory_space<vmem_shared>> -> memref<624x128xbf16, #tpu.memory_space<vmem_shared>>
        tpu.wait_dma2 semaphore(%run_scoped3A_92 : memref<!tpu.dma_semaphore, #tpu.memory_space<semaphore_mem>>) src(%dma_wait3A_102 : memref<624x128xbf16, #tpu.memory_space<vmem_shared>>) dst(%dma_wait3A_100 : memref<624x128xbf16, #tpu.memory_space<hbm>>)
        tpu.yield
      }) : () -> ()
    } else {
    }
    %eq3A_87 = arith.constant 15 : i32
    %eq3A_88 = arith.cmpi eq, %arg1, %eq3A_87 : i32
    %convert_element_type3A_89 = arith.extui %eq3A_88 : i1 to i32
    %cond3A_90 = arith.constant 0 : i32
    %cond3A_91 = arith.cmpi ne, %convert_element_type3A_89, %cond3A_90 : i32
    scf.if %cond3A_91 {
      "tpu.region"() ({
        %run_scoped3A_92 = tpu.sem_alloc : memref<!tpu.dma_semaphore, #tpu.memory_space<semaphore_mem>>
        %dma_start3A_93 = arith.constant 0 : i32
        %dma_start3A_94 = tpu.memref_slice %arg7[%arg0, %multiple_of3A, %dma_start3A_93] : memref<2x10000x128xbf16, #tpu.memory_space<hbm>> -> memref<1x640x128xbf16, #tpu.memory_space<hbm>>
        %dma_start3A_95 = tpu.memref_squeeze %dma_start3A_94 : memref<1x640x128xbf16, #tpu.memory_space<hbm>> -> memref<640x128xbf16, #tpu.memory_space<hbm>>
        %dma_start3A_96 = arith.constant 0 : i32
        %dma_start3A_97 = tpu.memref_slice %arg14[%multiple_of3A, %dma_start3A_96] : memref<10000x128xbf16, #tpu.memory_space<vmem_shared>> -> memref<640x128xbf16, #tpu.memory_space<vmem_shared>>
        tpu.enqueue_dma source(%dma_start3A_97 : memref<640x128xbf16, #tpu.memory_space<vmem_shared>>) target(%dma_start3A_95 : memref<640x128xbf16, #tpu.memory_space<hbm>>) target_semaphore(%run_scoped3A_92 : memref<!tpu.dma_semaphore, #tpu.memory_space<semaphore_mem>>)
        %dma_wait3A_98 = arith.constant 0 : i32
        %dma_wait3A_99 = tpu.memref_slice %arg7[%arg0, %multiple_of3A, %dma_wait3A_98] : memref<2x10000x128xbf16, #tpu.memory_space<hbm>> -> memref<1x640x128xbf16, #tpu.memory_space<hbm>>
        %dma_wait3A_100 = tpu.memref_squeeze %dma_wait3A_99 : memref<1x640x128xbf16, #tpu.memory_space<hbm>> -> memref<640x128xbf16, #tpu.memory_space<hbm>>
        %dma_wait3A_101 = arith.constant 0 : i32
        %dma_wait3A_102 = tpu.memref_slice %arg14[%multiple_of3A, %dma_wait3A_101] : memref<10000x128xbf16, #tpu.memory_space<vmem_shared>> -> memref<640x128xbf16, #tpu.memory_space<vmem_shared>>
        tpu.wait_dma2 semaphore(%run_scoped3A_92 : memref<!tpu.dma_semaphore, #tpu.memory_space<semaphore_mem>>) src(%dma_wait3A_102 : memref<640x128xbf16, #tpu.memory_space<vmem_shared>>) dst(%dma_wait3A_100 : memref<640x128xbf16, #tpu.memory_space<hbm>>)
        tpu.yield
      }) : () -> ()
    } else {
    }
    return
  }
}

module attributes {stable_mosaic.version = 14 : i64} {
  func.func @_pre_body(%arg0: memref<10000x128xf32, #tpu.memory_space<vmem>>, %arg1: memref<128x128xf32, #tpu.memory_space<vmem>>, %arg2: memref<1x128xf32, #tpu.memory_space<vmem>>, %arg3: memref<12048x128xbf16, #tpu.memory_space<vmem>>) attributes {dimension_semantics = [], scalar_prefetch = 0 : i64, scratch_operands = 0 : i64, tpu.core_type = #tpu.core_type<tc>} {
    %get3A = arith.constant 0 : index
    %get3A_0 = arith.constant 0 : index
    %get3A_1 = vector.load %arg0[%get3A, %get3A_0] : memref<10000x128xf32, #tpu.memory_space<vmem>>, vector<10000x128xf32>
    %get3A_2 = arith.constant 0 : index
    %get3A_3 = arith.constant 0 : index
    %get3A_4 = vector.load %arg1[%get3A_2, %get3A_3] : memref<128x128xf32, #tpu.memory_space<vmem>>, vector<128x128xf32>
    %dot_general3A = arith.constant dense<0.000000e+00> : vector<10000x128xf32>
    %dot_general3A_5 = tpu.matmul %get3A_1, %get3A_4, %dot_general3A {dimension_numbers = #tpu.dot_dimension_numbers<[1], [0], [0], [1], [0, 0, 1, 1], [], []>, transpose_lhs_hint = false} : vector<10000x128xf32>, vector<128x128xf32>, vector<10000x128xf32> -> vector<10000x128xf32>
    %get3A_6 = arith.constant 0 : index
    %get3A_7 = arith.constant 0 : index
    %get3A_8 = vector.load %arg2[%get3A_6, %get3A_7] : memref<1x128xf32, #tpu.memory_space<vmem>>, vector<1x128xf32>
    %add3A = vector.broadcast %get3A_8 : vector<1x128xf32> to vector<10000x128xf32>
    %add3A_9 = arith.addf %dot_general3A_5, %add3A : vector<10000x128xf32>
    %max3A = arith.constant 0.000000e+00 : f32
    %max3A_10 = vector.broadcast %max3A : f32 to vector<10000x128xf32>
    %max3A_11 = arith.maximumf %add3A_9, %max3A_10 : vector<10000x128xf32>
    %convert_element_type3A = arith.truncf %max3A_11 : vector<10000x128xf32> to vector<10000x128xbf16>
    %swap3A = arith.constant 0 : index
    %swap3A_12 = arith.constant 0 : index
    %swap3A_13 = vector.load %arg3[%swap3A, %swap3A_12] : memref<12048x128xbf16, #tpu.memory_space<vmem>>, vector<10000x128xbf16>
    tpu.vector_store %arg3[%swap3A, %swap3A_12], %convert_element_type3A {strides = array<i32>} : memref<12048x128xbf16, #tpu.memory_space<vmem>>, vector<10000x128xbf16>,
    %broadcast_in_dim3A = arith.constant 0.000000e+00 : bf16
    %broadcast_in_dim3A_14 = vector.broadcast %broadcast_in_dim3A : bf16 to vector<2048x128xbf16>
    %swap3A_15 = arith.constant 10000 : index
    %swap3A_16 = arith.constant 0 : index
    %swap3A_17 = vector.load %arg3[%swap3A_15, %swap3A_16] : memref<12048x128xbf16, #tpu.memory_space<vmem>>, vector<2048x128xbf16>
    tpu.vector_store %arg3[%swap3A_15, %swap3A_16], %broadcast_in_dim3A_14 {strides = array<i32>} : memref<12048x128xbf16, #tpu.memory_space<vmem>>, vector<2048x128xbf16>,
    return
  }
}

module attributes {stable_mosaic.version = 14 : i64} {
  func.func @_update_body(%arg0: memref<10000x128xf32, #tpu.memory_space<vmem>>, %arg1: memref<10000x128xf32, #tpu.memory_space<vmem>>, %arg2: memref<128x128xf32, #tpu.memory_space<vmem>>, %arg3: memref<128x128xf32, #tpu.memory_space<vmem>>, %arg4: memref<1x128xf32, #tpu.memory_space<vmem>>, %arg5: memref<128x128xf32, #tpu.memory_space<vmem>>, %arg6: memref<1x128xf32, #tpu.memory_space<vmem>>, %arg7: memref<10000x128xf32, #tpu.memory_space<vmem>>) attributes {dimension_semantics = [], scalar_prefetch = 0 : i64, scratch_operands = 0 : i64, tpu.core_type = #tpu.core_type<tc>} {
    %get3A = arith.constant 0 : index
    %get3A_0 = arith.constant 0 : index
    %get3A_1 = vector.load %arg0[%get3A, %get3A_0] : memref<10000x128xf32, #tpu.memory_space<vmem>>, vector<10000x128xf32>
    %get3A_2 = arith.constant 0 : index
    %get3A_3 = arith.constant 0 : index
    %get3A_4 = vector.load %arg2[%get3A_2, %get3A_3] : memref<128x128xf32, #tpu.memory_space<vmem>>, vector<128x128xf32>
    %dot_general3A = arith.constant dense<0.000000e+00> : vector<10000x128xf32>
    %dot_general3A_5 = tpu.matmul %get3A_1, %get3A_4, %dot_general3A {dimension_numbers = #tpu.dot_dimension_numbers<[1], [0], [0], [1], [0, 0, 1, 1], [], []>, transpose_lhs_hint = false} : vector<10000x128xf32>, vector<128x128xf32>, vector<10000x128xf32> -> vector<10000x128xf32>
    %get3A_6 = arith.constant 0 : index
    %get3A_7 = arith.constant 0 : index
    %get3A_8 = vector.load %arg1[%get3A_6, %get3A_7] : memref<10000x128xf32, #tpu.memory_space<vmem>>, vector<10000x128xf32>
    %get3A_9 = arith.constant 0 : index
    %get3A_10 = arith.constant 0 : index
    %get3A_11 = vector.load %arg3[%get3A_9, %get3A_10] : memref<128x128xf32, #tpu.memory_space<vmem>>, vector<128x128xf32>
    %dot_general3A_12 = arith.constant dense<0.000000e+00> : vector<10000x128xf32>
    %dot_general3A_13 = tpu.matmul %get3A_8, %get3A_11, %dot_general3A_12 {dimension_numbers = #tpu.dot_dimension_numbers<[1], [0], [0], [1], [0, 0, 1, 1], [], []>, transpose_lhs_hint = false} : vector<10000x128xf32>, vector<128x128xf32>, vector<10000x128xf32> -> vector<10000x128xf32>
    %add3A = arith.addf %dot_general3A_5, %dot_general3A_13 : vector<10000x128xf32>
    %get3A_14 = arith.constant 0 : index
    %get3A_15 = arith.constant 0 : index
    %get3A_16 = vector.load %arg4[%get3A_14, %get3A_15] : memref<1x128xf32, #tpu.memory_space<vmem>>, vector<1x128xf32>
    %add3A_17 = vector.broadcast %get3A_16 : vector<1x128xf32> to vector<10000x128xf32>
    %add3A_18 = arith.addf %add3A, %add3A_17 : vector<10000x128xf32>
    %max3A = arith.constant 0.000000e+00 : f32
    %max3A_19 = vector.broadcast %max3A : f32 to vector<10000x128xf32>
    %max3A_20 = arith.maximumf %add3A_18, %max3A_19 : vector<10000x128xf32>
    %get3A_21 = arith.constant 0 : index
    %get3A_22 = arith.constant 0 : index
    %get3A_23 = vector.load %arg5[%get3A_21, %get3A_22] : memref<128x128xf32, #tpu.memory_space<vmem>>, vector<128x128xf32>
    %dot_general3A_24 = arith.constant dense<0.000000e+00> : vector<10000x128xf32>
    %dot_general3A_25 = tpu.matmul %max3A_20, %get3A_23, %dot_general3A_24 {dimension_numbers = #tpu.dot_dimension_numbers<[1], [0], [0], [1], [0, 0, 1, 1], [], []>, transpose_lhs_hint = false} : vector<10000x128xf32>, vector<128x128xf32>, vector<10000x128xf32> -> vector<10000x128xf32>
    %get3A_26 = arith.constant 0 : index
    %get3A_27 = arith.constant 0 : index
    %get3A_28 = vector.load %arg6[%get3A_26, %get3A_27] : memref<1x128xf32, #tpu.memory_space<vmem>>, vector<1x128xf32>
    %add3A_29 = vector.broadcast %get3A_28 : vector<1x128xf32> to vector<10000x128xf32>
    %add3A_30 = arith.addf %dot_general3A_25, %add3A_29 : vector<10000x128xf32>
    %swap3A = arith.constant 0 : index
    %swap3A_31 = arith.constant 0 : index
    %swap3A_32 = vector.load %arg7[%swap3A, %swap3A_31] : memref<10000x128xf32, #tpu.memory_space<vmem>>, vector<10000x128xf32>
    tpu.vector_store %arg7[%swap3A, %swap3A_31], %add3A_30 {strides = array<i32>} : memref<10000x128xf32, #tpu.memory_space<vmem>>, vector<10000x128xf32>,
    return
  }
}

</mosaic_0001>

<sc_bundles>
// kernel: kernel.5.cloned.1.call-start
scs
__scs_entry_jumppad:
0x0: {  	(pc) =	sbr.rel $0x88, $3  }
0x1: {  	(tag) =	ssettag $0x0;
	lr =	simm.s32 $0x1  }
0x2: {  	[smem:$0x3F99] =	sst lr;
	_ =	strace $0xD0000000  }
0x3: {  	_ = 	snop  }
0x4: {  	_ = 	snop  }
0x5: {  	_ = 	snop  }
0x6: {  	_ = 	snop  }
0x7: {  	_ = 	snop  }
__scs_overlays_trampoline_lowered:
0x8: {  	[smem:$0x3FA8] =	sst s0  }
0x9: {  	[smem:$0x3FA9] =	sst s1  }
0xa: {  	[smem:$0x3FAA] =	sst s2  }
0xb: {  	[smem:$0x3FAB] =	sst s3  }
0xc: {  	[smem:$0x3FAC] =	sst s4  }
0xd: {  	[smem:$0x3FAD] =	sst s5  }
0xe: {  	[smem:$0x3FAE] =	sst s6  }
0xf: {  	[smem:$0x3FAF] =	sst s7  }
0x10: {  	[smem:$0x3FB0] =	sst s8  }
0x11: {  	[smem:$0x3FB1] =	sst s9;
	s0 =	simm.s32 @!p0 $0x0  }
0x12: {  	s1 =	sld [smem:$0x3F97];
	s0 =	simm.s32 @p0 $0x1  }
0x13: {  	[smem:$0x3FB2] =	sst s0;
	s0 =	simm.s32 @!p1 $0x0  }
0x14: {  	s2 =	sld [smem:$0x3F96];
	s0 =	simm.s32 @p1 $0x1  }
0x15: {  	[smem:$0x3FB3] =	sst s0;
	s0 =	simm.s32 @!p2 $0x0  }
0x16: {  	s3 =	sld [smem:$0x3FDB];
	s0 =	simm.s32 @p2 $0x1  }
0x17: {  	s4 =	simm.s32 $0x1BF5;
	[smem:$0x3FB5] =	sst s0  }
0x18: {  	s0 =	sld [smem:$0x3F98];
	_ =	swait.ge [sflag:s4], $0x0  }
0x19: {  	s7 =	sld [smem:$0x3F99]  }
0x1a: {  	s8 =	sadd.s32 $0xFFFFE003, lr  }
0x1b: {  	s9 =	sadd.s32 $0xFFFFFEF7, lr;
	s5 =	simm.s32 $0xFFFFFFFF;
	p2 =	slt.u32 s8, $0xFFFFF086  }
0x1c: {  	p1 =	slt.u32 s9, $0xF7A;
	s5 =	simm.s32 @!p2 $0x0  }
0x1d: {  	s5 =	simm.s32 @p1 $0x1;
	p0 =	seq.s32 s7, s2  }
0x1e: {  	s7 =	smul.u32 @!p0 $0xF7A, s2;
	p2 =	seq.s32 @!p0 s5, $0x0  }
0x1f: {  	s9 =	smul.u32 $0xF7A, s1;
	s8 =	simm.s32 @!p0 $0x1BF5;
	p2 =	por !p2, p0  }
0x20: {  	[sflag:s8] =	ssyncset.s32 @!p0 $0xFFFFF086;
	s6 =	sadd.s32 @!p0 s3, s7;
	s7 =	simm.s32 @!p0 $0x108  }
0x21: {  	s3 =	sadd.s32 s3, s9;
	s6 =	sadd.s32 @!p0 $0x88, s6;
	s7 =	simm.s32 @p2 $0x1082  }
0x22: {  	[simem:s7], [sflag:s8] =	dma.local @!p0 [hbm:s6], $0xF7A  }
0x23: {  	s9 =	sor.u32 $0xD0000000, s2;
	s6 =	simm.s32 $0x108;
	_ =	swait.ge @!p0 [sflag:s8], $0x0  }
0x24: {  	s3 =	sadd.s32 $0x88, s3;
	s6 =	simm.s32 @!p1 $0x1082;
	[sflag:s4] =	ssyncset.s32 $0xFFFFF086  }
0x25: {  	[simem:s6], [sflag:s4] =	dma.local [hbm:s3], $0xF7A  }
0x26: {  	[smem:$0x3F99] =	sst s1;
	(tag) =	ssettag s2;
	_ =	strace s9  }
0x27: {  	s1 =	sld [smem:$0x3FA9]  }
0x28: {  	s2 =	sld [smem:$0x3FAA]  }
0x29: {  	s4 =	sld [smem:$0x3FAC]  }
0x2a: {  	p0 =	seq.s32 s5, $0x0;
	s5 =	sld [smem:$0x3FAD]  }
0x2b: {  	s6 =	sld [smem:$0x3FAE]  }
0x2c: {  	s7 =	sld [smem:$0x3FAF]  }
0x2d: {  	s3 =	simm.s32 $0x108;
	s8 =	sld [smem:$0x3FB0]  }
0x2e: {  	s3 =	simm.s32 @!p0 $0x1082;
	s9 =	sld [smem:$0x3FB1]  }
0x2f: {  	lr =	sadd.s32 s0, s3;
	s0 =	sld [smem:$0x3FA8]  }
0x30: {  	s3 =	sld [smem:$0x3FAB]  }
0x31: {  	[smem:$0x3FB4] =	sst s10  }
0x32: {  	s10 =	sld [smem:$0x3FB2];
	_ =	sdelay $0x3  }
0x33: {  	p0 =	seq.s32 s10, $0x1;
	s10 =	sld [smem:$0x3FB4];
	_ =	sdelay $0x3  }
0x34: {  	[smem:$0x3FB4] =	sst s10  }
0x35: {  	s10 =	sld [smem:$0x3FB3];
	_ =	sdelay $0x3  }
0x36: {  	p1 =	seq.s32 s10, $0x1;
	s10 =	sld [smem:$0x3FB4];
	_ =	sdelay $0x3  }
0x37: {  	[smem:$0x3FB4] =	sst s10  }
0x38: {  	s10 =	sld [smem:$0x3FB5]  }
0x39: {  	_ = 	snop;
	(pc) =	sbr.ind lr, $3  }
0x3a: {  	_ = 	snop  }
0x3b: {  	_ = 	snop  }
0x3c: {  	p2 =	seq.s32 s10, $0x1;
	s10 =	sld [smem:$0x3FB4]  }
0x3d: {  	_ =	shalt  }
0x3e: {  	_ =	shalt  }
0x3f: {  	_ =	shalt  }
0x40: {  	_ =	shalt  }
0x41: {  	_ =	shalt  }
0x42: {  	_ =	shalt  }
0x43: {  	_ =	shalt  }
0x44: {  	_ =	shalt  }
0x45: {  	_ =	shalt  }
0x46: {  	_ =	shalt  }
0x47: {  	_ =	shalt  }
0x48: {  	_ =	shalt  }
0x49: {  	_ =	shalt  }
0x4a: {  	_ =	shalt  }
0x4b: {  	_ =	shalt  }
0x4c: {  	_ =	shalt  }
0x4d: {  	_ =	shalt  }
0x4e: {  	_ =	shalt  }
0x4f: {  	_ =	shalt  }
0x50: {  	_ =	shalt  }
0x51: {  	_ =	shalt  }
0x52: {  	_ =	shalt  }
0x53: {  	_ =	shalt  }
0x54: {  	_ =	shalt  }
0x55: {  	_ =	shalt  }
0x56: {  	_ =	shalt  }
0x57: {  	_ =	shalt  }
0x58: {  	_ =	shalt  }
0x59: {  	_ =	shalt  }
0x5a: {  	_ =	shalt  }
0x5b: {  	_ =	shalt  }
0x5c: {  	_ =	shalt  }
0x5d: {  	_ =	shalt  }
0x5e: {  	_ =	shalt  }
0x5f: {  	_ =	shalt  }
0x60: {  	_ =	shalt  }
0x61: {  	_ =	shalt  }
0x62: {  	_ =	shalt  }
0x63: {  	_ =	shalt  }
0x64: {  	_ =	shalt  }
0x65: {  	_ =	shalt  }
0x66: {  	_ =	shalt  }
0x67: {  	_ =	shalt  }
0x68: {  	_ =	shalt  }
0x69: {  	_ =	shalt  }
0x6a: {  	_ =	shalt  }
0x6b: {  	_ =	shalt  }
0x6c: {  	_ =	shalt  }
0x6d: {  	_ =	shalt  }
0x6e: {  	_ =	shalt  }
0x6f: {  	_ =	shalt  }
0x70: {  	_ =	shalt  }
0x71: {  	_ =	shalt  }
0x72: {  	_ =	shalt  }
0x73: {  	_ =	shalt  }
0x74: {  	_ =	shalt  }
0x75: {  	_ =	shalt  }
0x76: {  	_ =	shalt  }
0x77: {  	_ =	shalt  }
0x78: {  	_ =	shalt  }
0x79: {  	_ =	shalt  }
0x7a: {  	_ =	shalt  }
0x7b: {  	_ =	shalt  }
0x7c: {  	_ =	shalt  }
0x7d: {  	_ =	shalt  }
0x7e: {  	_ =	shalt  }
0x7f: {  	_ =	shalt  }
0x80: {  	_ =	shalt  }
0x81: {  	_ =	shalt  }
0x82: {  	_ =	shalt  }
0x83: {  	_ =	shalt  }
0x84: {  	_ =	shalt  }
0x85: {  	_ =	shalt  }
0x86: {  	_ =	shalt  }
0x87: {  	_ =	shalt  }
.Lfunc_end0:
.L_simem_size_0:
called_computation_lowered:
.L_overlay_start_0:
0x88: {  	s2 =	sld [smem:$0x3FD9]  }
0x89: {  	s3 =	sld [smem:$0x3FFE];
	_ =	sdelay $0x1  }
0x8a: {  	s1 =	srdreg.scid  }
0x8b: {  	s0 =	sand.u32 $0x1, s1  }
0x8c: {  	s17 =	sshll.u32 s0, $0xA;
	s2 =	sadd.s32 s3, s2  }
0x8d: {  	s2 =	sadd.s32 s2, s17  }
0x8e: {  	[smem:$0x3FC0] =	sst s2  }
0x8f: {  	_ = 	snop  }
0x90: {  	s2 =	sld [smem:$0x3FD0];
	(tm) =	ssettm $0x1  }
0x91: {  	s18 =	sld [smem:$0x3FFB];
	_ =	sdelay $0x3  }
0x92: {  	_ =	strace s18  }
0x93: {  	s3 =	sld [smem:$0x3FFC];
	_ =	sdelay $0x3  }
0x94: {  	_ =	strace s3  }
0x95: {  	s3 =	sld [smem:$0x3FFD];
	_ =	sdelay $0x3  }
0x96: {  	_ =	strace s3  }
0x97: {  	_ =	strace $0x8FFFFFFF  }
0x98: {  	s19 =	sld [smem:$0x3FDB];
	_ =	sdelay $0x1  }
0x99: {  	s4 =	simm.s32 $_scs_section_size  }
0x9a: {  	s5 =	simm.s32 $_size__tile_overlayer_lowered;
	s6 =	simm.s32 $_tile_overlayer_lowered  }
0x9b: {  	s22 =	simm.s32 $0x1BFF;
	s21 =	sshll.u32 s6, $0x1;
	s3 =	sadd.s32 s4, s19  }
0x9c: {  	s7 =	simm.s32 $0x0;
	s20 =	sshll.u32 s5, $0x1;
	s5 =	sadd.s32 s21, s3  }
0x9d: {  	[timem:s7], [sflag:s22] =	dma.local [hbm:s5], s20  }
0x9e: {  	_ =	swait.ge [sflag:s22], s20  }
0x9f: {  	s4 =	ssub.s32 $0x0, s20;
	[sflag:s22] =	ssyncset.done $0x0  }
0xa0: {  	[sflag:s22] =	ssyncadd.s32 s4;
	_ =	sdelay $0x1  }
0xa1: {  	s23 =	simm.s32 $0x1B8B  }
0xa2: {  	_ =	swait.ge [sflag:s23], $0x1  }
0xa3: {  	[sflag:s23] =	ssyncset.done $0x0  }
0xa4: {  	s25 =	simm.s32 $0x1B8E;
	s24 =	sld [smem:$0x3FFE];
	[sflag:s23] =	ssyncadd.s32 $0xFFFFFFFF  }
0xa5: {  	s26 =	simm.s32 $execute0_lowered;
	[smem:$0x3FD2] =	sst s25  }
0xa6: {  	s5 =	sshll.u32 s26, $0x1;
	_ =	strace $0x80000046;
	[dreg:$0x1] =	wrdreg $0xFFFFFFFF  }
0xa7: {  	s28 =	simm.s32 $_size_execute0_lowered;
	s3 =	sadd.s32 s3, s5;
	[dreg:$0x0] =	wrdreg $0x0  }
0xa8: {  	s5 =	sshll.u32 s28, $0x1;
	[dreg:$0x2] =	wrdreg s3  }
0xa9: {  	[dreg:$0x3] =	wrdreg s5  }
0xaa: {  	[dreg:$0x4] =	wrdreg $0xC0  }
0xab: {  	_ =	task [dreg:s7], $0x5FFFF  }
0xac: {  	[dreg:$0x1] =	wrdreg $0xFFFFFFFF  }
0xad: {  	[dreg:$0x0] =	wrdreg $0x60  }
0xae: {  	[dreg:$0x2] =	wrdreg s24  }
0xaf: {  	[dreg:$0x3] =	wrdreg s2  }
0xb0: {  	[dreg:$0x4] =	wrdreg $0xD0000  }
0xb1: {  	[dreg:$0x5] =	wrdreg $0x9  }
0xb2: {  	_ =	task.clear_ibuf [dreg:s7], $0x6FFFF;
	_ =	strace $0x90000046  }
0xb3: {  	s29 =	simm.s32 $0x9;
	_ =	strace $0x80000048  }
0xb4: {  	_ =	swait.ge [sflag:s29], $0x1  }
0xb5: {  	[sflag:s29] =	ssyncadd.s32 $0xFFFFFFFF  }
0xb6: {  	_ =	strace $0x90000048  }
0xb7: {  	_ =	sfence  }
0xb8: {  	s30 =	sld [smem:$0x0];
	_ =	sdelay $0x2  }
0xb9: {  	s31 =	sshll.u32 s1, $0xD;
	s1 =	sshrl.u32 s1, $0x2  }
0xba: {  	s3 =	sand.u32 $0x4000, s31;
	s1 =	sadd.s32 s1, s30  }
0xbb: {  	s0 =	sor.u32 s3, s0;
	s1 =	sshll.u32 s1, $0x11  }
0xbc: {  	s0 =	sor.u32 s1, s0  }
0xbd: {  	s0 =	sadd.s32 $0x8F2B, s0  }
0xbe: {  	[sflag:s0] =	ssyncadd.remote.s32 $0x1  }
0xbf: {  	_ =	sfence.sel $0xFFFF  }
0xc0: {  	[dreg:$0x0] =	wrdreg $0xFFFFFFFF;
	(pc) =	sbr.abs _section_cstart, $3  }
0xc1: {  	[dreg:$0x1] =	wrdreg $0xFFFFFFFF  }
0xc2: {  	_ =	task.clear_ibuf [dreg:s7], $0x2FFFF;
	_ =	strace $0x9FFFFFFF  }
0xc3: {  	(tm) =	ssettm $0x7FFFFFFF  }
tec
execute0_lowered:
.L_overlay_start_1:
0x0: {  	(tag) =	ssettag $0x1  }
0x1: {  	s0 =	rddreg [dreg:$0x0];
	s1 =	srdreg.scid  }
0x2: {  	s17 =	stileid.u32;
	s3 =	rddreg [dreg:$0x1]  }
0x3: {  	s2 =	rddreg [dreg:$0x2];
	s5 =	simm.s32 $0x0;
	s18 =	simm.s32 $0x7000  }
0x4: {  	s20 =	simm.s32 $0x9000;
	s22 =	simm.s32 $0xB000;
	s24 =	simm.s32 $0x1  }
0x5: {  	s26 =	simm.s32 $0x5;
	s28 =	simm.s32 $0x2;
	s29 =	simm.s32 $0x3  }
0x6: {  	s30 =	simm.s32 $0x4;
	s19 =	simm.s32 $0x0;
	s1 =	sand.u32 $0x1, s1  }
0x7: {  	s4 =	sshll.u32 s17, $0x1;
	[smem:$0x7FF] =	sst s5;
	s5 =	sadd.s32 $0x2E200, s0  }
0x8: {  	s6 =	sadd.s32 $0x2E600, s0;
	s11 =	smul.u32 $0x27000, s17;
	s7 =	sadd.s32 $0x2CE00, s0  }
0x9: {  	s14 =	smul.u32 $0x13800, s17;
	p1 =	seq.s32 s17, $0xF;
	s17 =	simm.s32 $0x5000  }
0xa: {  	s16 =	sor.u32 s1, s4;
	s8 =	ssub.s32 $0x2, s1;
	s1 =	smul.u32 $0x138800, s1  }
0xb: {  	_ =	strace $0x80000047;
	s4 =	smul.u32 $0x2800, s16;
	s10 =	sshrl.u32 s8, $0x1  }
0xc: {  	s12 =	sshrl.u32 s11, $0x2;
	s11 =	sadd.s32 $0x2CB40, s0;
	p0 =	seq.s32 s16, $0x1F  }
0xd: {  	s16 =	simm.s32 $0x80;
	s15 =	ssub.s32 s8, s10;
	s10 =	sadd.s32 $0x22F00, s0  }
0xe: {  	s13 =	sadd.s32 s14, s1;
	s1 =	sshrl.u32 s1, $0x4;
	s14 =	sshrl.u32 s14, $0x1  }
0xf: {  	s31 =	sshrl.u32 s4, $0x3;
	s4 =	sadd.s32 $0x1A00, s0;
	s13 =	sshrl.u32 s13, $0x4  }
0x10: {  	s1 =	sadd.s32 s3, s1;
	s15 =	smax.u32 s15, $0x1;
	s9 =	sadd.s32 s31, s0  }
0x11: {  	s0 =	sadd.s32 s12, s2;
	s12 =	sadd.s32 $0x92400, s2;
	s13 =	sadd.s32 s3, s13  }
0x12: {  	s3 =	sadd.s32 s14, s2;
	s14 =	sadd.s32 $0x12480, s1;
	s8 =	sadd.s32 $0x19400, s9  }
0x13: {  	s9 =	sadd.s32 $0x23040, s9;
	s23 =	sshrl.u32 @!p1 s0, $0x3;
	s25 =	sshrl.u32 @!p1 s3, $0x3  }
.LBB2_1:
0x14: {  	s1 =	simm.s32 @p0 $0x0;
	s3 =	simm.s32 @p0 $0x5  }
0x15: {  	[tilespmem:s1], [sflag:$0x5] =	stream.linear.gather @p0 [hbm4b:s10+s1], $0xA00, $0x38;
	[tilespmem:$0x16C40] =	vst v63  }
0x16: {  	_ =	swait.ge @p0 [sflag:s3], $0xA00  }
0x17: {  	[sflag:s3] =	ssyncset.done @p0 $0x0  }
0x18: {  	s21 =	simm.s32 @p0 $0x2800;
	[sflag:s3] =	ssyncadd.s32 @p0 $0xFFFFF600  }
0x19: {  	[tilespmem:s21], [sflag:$0x5] =	stream.linear.gather @p0 [hbm4b:s11+s1], $0xA00, $0x38;
	[tilespmem:$0x16C40] =	vst v63  }
0x1a: {  	_ =	swait.ge @p0 [sflag:s3], $0xA00  }
0x1b: {  	[sflag:s3] =	ssyncset.done @p0 $0x0  }
0x1c: {  	s21 =	simm.s32 @p0 $0xA00;
	[sflag:s3] =	ssyncadd.s32 @p0 $0xFFFFF600  }
0x1d: {  	[tilespmem:s21], [sflag:$0x5] =	stream.linear.gather @p0 [hbm4b:s5+s1], $0x1E00, $0x38;
	[tilespmem:$0x16C40] =	vst v63  }
0x1e: {  	_ =	swait.ge @p0 [sflag:s3], $0x1E00  }
0x1f: {  	[sflag:s3] =	ssyncset.done @p0 $0x0  }
0x20: {  	s21 =	simm.s32 @p0 $0x3200;
	[sflag:s3] =	ssyncadd.s32 @p0 $0xFFFFE200  }
0x21: {  	[tilespmem:s21], [sflag:$0x5] =	stream.linear.gather @p0 [hbm4b:s6+s1], $0x1E00, $0x38;
	[tilespmem:$0x16C40] =	vst v63  }
0x22: {  	_ =	swait.ge @p0 [sflag:s3], $0x1E00  }
0x23: {  	[sflag:s3] =	ssyncset.done @p0 $0x0  }
0x24: {  	s1 =	simm.s32 @!p0 $0x0;
	[sflag:s3] =	ssyncadd.s32 @p0 $0xFFFFE200;
	s3 =	simm.s32 @!p0 $0x5  }
0x25: {  	[tilespmem:s1], [sflag:$0x5] =	stream.linear.gather @!p0 [hbm4b:s8+s1], $0x2800, $0x38;
	[tilespmem:$0x16C40] =	vst v63  }
0x26: {  	_ =	swait.ge @!p0 [sflag:s3], $0x2800  }
0x27: {  	[sflag:s3] =	ssyncset.done @!p0 $0x0  }
0x28: {  	s21 =	simm.s32 @!p0 $0x2800;
	[sflag:s3] =	ssyncadd.s32 @!p0 $0xFFFFD800  }
0x29: {  	[tilespmem:s21], [sflag:$0x5] =	stream.linear.gather @!p0 [hbm4b:s9+s1], $0x2800, $0x38;
	[tilespmem:$0x16C40] =	vst v63  }
0x2a: {  	_ =	swait.ge @!p0 [sflag:s3], $0x2800  }
0x2b: {  	[sflag:s3] =	ssyncset.done @!p0 $0x0  }
0x2c: {  	s0 =	simm.s32 $0x0;
	[sflag:s3] =	ssyncadd.s32 @!p0 $0xFFFFD800  }
0x2d: {  	[tilespmem:s17], [sflag:$0x1] =	stream.indirect.gather [hbm4b:s4+s16], $0x40, s0, s16, $0xb8;
	[tilespmem:$0x16C40] =	vst v63  }
0x2e: {  	_ = 	snop  }
0x2f: {  	[tilespmem:s18], [sflag:$0x2] =	stream.indirect.gather [hbm4b:s4+s16], $0x40, s16, s16, $0xb8;
	[tilespmem:$0x16C40] =	vst v63  }
0x30: {  	s21 =	simm.s32 $0x100  }
0x31: {  	[tilespmem:s20], [sflag:$0x3] =	stream.indirect.gather [hbm4b:s4+s16], $0x40, s21, s16, $0xb8;
	[tilespmem:$0x16C40] =	vst v63  }
0x32: {  	s1 =	simm.s32 $0x180  }
0x33: {  	[tilespmem:s22], [sflag:$0x4] =	stream.indirect.gather [hbm4b:s4+s16], $0x40, s1, s16, $0xb8;
	[tilespmem:$0x16C40] =	vst v63  }
0x34: {  	s21 =	sshrl.u32 @p1 s12, $0x3;
	s1 =	simm.s32 @p1 $0x1FC5  }
0x35: {  	[spmem:s21], [sflag:s1] =	dma.local @p1 [hbm:s7], $0x1400  }
0x36: {  	s1 =	simm.s32 @p1 $0x5  }
0x37: {  	s0 =	stileid.u32;
	_ =	swait.ge @p1 [sflag:s1], $0x1400  }
0x38: {  	s3 =	sshll.u32 @!p1 s0, $0x6;
	[sflag:s1] =	ssyncset.done @p1 $0x0  }
0x39: {  	s31 =	sor.u32 @!p1 $0x1C05, s3;
	[sflag:s1] =	ssyncadd.s32 @p1 $0xFFFFEC00;
	s1 =	simm.s32 @!p1 $0x5  }
0x3a: {  	[spmem:s23], [sflag:s31] =	dma.local @!p1 [hbm:s7], $0x1380  }
0x3b: {  	_ =	swait.ge @!p1 [sflag:s1], $0x1380  }
0x3c: {  	[sflag:s1] =	ssyncset.done @!p1 $0x0  }
0x3d: {  	[sflag:s1] =	ssyncadd.s32 @!p1 $0xFFFFEC80  }
0x3e: {  	[bflag:$0x0] =	sbarrier.arrive $0xFFFF  }
0x3f: {  	_ =	swait.ge [sflag:s24], $0x2000  }
0x40: {  	[sflag:s24] =	ssyncset.done $0x0  }
0x41: {  	s3 =	simm.s32 $0x2800;
	[sflag:s24] =	ssyncadd.s32 $0xFFFFE000  }
0x42: {  	[spmem:s2] =	stream.indirect.scatter.add.bf16 [tilespmem:s17], [sflag:$0x5], $0x40, s3, s16, $0xb8;
	[tilespmem:$0x16C40] =	vst v63  }
0x43: {  	_ =	swait.ge [sflag:s26], $0x2000  }
0x44: {  	[sflag:s26] =	ssyncset.done $0x0  }
0x45: {  	s0 =	simm.s32 $0x200;
	[sflag:s26] =	ssyncadd.s32 $0xFFFFE000  }
0x46: {  	[tilespmem:s17], [sflag:$0x1] =	stream.indirect.gather [hbm4b:s4+s16], $0x40, s0, s16, $0xb8;
	[tilespmem:$0x16C40] =	vst v63  }
0x47: {  	_ =	swait.ge [sflag:s28], $0x2000  }
0x48: {  	[sflag:s28] =	ssyncset.done $0x0  }
0x49: {  	s3 =	simm.s32 $0x2880;
	[sflag:s28] =	ssyncadd.s32 $0xFFFFE000  }
0x4a: {  	[spmem:s2] =	stream.indirect.scatter.add.bf16 [tilespmem:s18], [sflag:$0x5], $0x40, s3, s16, $0xb8;
	[tilespmem:$0x16C40] =	vst v63  }
0x4b: {  	_ =	swait.ge [sflag:s26], $0x2000  }
0x4c: {  	[sflag:s26] =	ssyncset.done $0x0  }
0x4d: {  	s0 =	simm.s32 $0x280;
	[sflag:s26] =	ssyncadd.s32 $0xFFFFE000  }
0x4e: {  	[tilespmem:s18], [sflag:$0x2] =	stream.indirect.gather [hbm4b:s4+s16], $0x40, s0, s16, $0xb8;
	[tilespmem:$0x16C40] =	vst v63  }
0x4f: {  	_ =	swait.ge [sflag:s29], $0x2000  }
0x50: {  	[sflag:s29] =	ssyncset.done $0x0  }
0x51: {  	s3 =	simm.s32 $0x2900;
	[sflag:s29] =	ssyncadd.s32 $0xFFFFE000  }
0x52: {  	[spmem:s2] =	stream.indirect.scatter.add.bf16 [tilespmem:s20], [sflag:$0x5], $0x40, s3, s16, $0xb8;
	[tilespmem:$0x16C40] =	vst v63  }
0x53: {  	_ =	swait.ge [sflag:s26], $0x2000  }
0x54: {  	[sflag:s26] =	ssyncset.done $0x0  }
0x55: {  	s0 =	simm.s32 $0x300;
	[sflag:s26] =	ssyncadd.s32 $0xFFFFE000  }
0x56: {  	[tilespmem:s20], [sflag:$0x3] =	stream.indirect.gather [hbm4b:s4+s16], $0x40, s0, s16, $0xb8;
	[tilespmem:$0x16C40] =	vst v63  }
0x57: {  	_ =	swait.ge [sflag:s30], $0x2000  }
0x58: {  	[sflag:s30] =	ssyncset.done $0x0  }
0x59: {  	s3 =	simm.s32 $0x2980;
	[sflag:s30] =	ssyncadd.s32 $0xFFFFE000  }
0x5a: {  	[spmem:s2] =	stream.indirect.scatter.add.bf16 [tilespmem:s22], [sflag:$0x5], $0x40, s3, s16, $0xb8;
	[tilespmem:$0x16C40] =	vst v63  }
0x5b: {  	_ =	swait.ge [sflag:s26], $0x2000  }
0x5c: {  	[sflag:s26] =	ssyncset.done $0x0  }
0x5d: {  	s1 =	simm.s32 $0x800;
	s3 =	simm.s32 $0x380;
	[sflag:s26] =	ssyncadd.s32 $0xFFFFE000  }
.LBB2_2:
0x5e: {  	[tilespmem:s22], [sflag:$0x4] =	stream.indirect.gather [hbm4b:s4+s16], $0x40, s3, s16, $0xb8;
	[tilespmem:$0x16C40] =	vst v63  }
0x5f: {  	s3 =	smov.u32 s1  }
0x60: {  	p2 =	sne.s32 s1, $0x9000;
	s1 =	sadd.s32 $0x800, s1;
	_ =	swait.ge [sflag:s24], $0x2000  }
0x61: {  	s3 =	sshra.s32 s3, $0x2;
	[sflag:s24] =	ssyncset.done $0x0  }
0x62: {  	s0 =	sadd.s32 $0x2800, s3;
	[sflag:s24] =	ssyncadd.s32 $0xFFFFE000  }
0x63: {  	[spmem:s2] =	stream.indirect.scatter.add.bf16 [tilespmem:s17], [sflag:$0x5], $0x40, s0, s16, $0xb8;
	[tilespmem:$0x16C40] =	vst v63  }
0x64: {  	_ =	swait.ge [sflag:s26], $0x2000  }
0x65: {  	[sflag:s26] =	ssyncset.done $0x0  }
0x66: {  	s0 =	sadd.s32 $0x200, s3;
	[sflag:s26] =	ssyncadd.s32 $0xFFFFE000  }
0x67: {  	[tilespmem:s17], [sflag:$0x1] =	stream.indirect.gather [hbm4b:s4+s16], $0x40, s0, s16, $0xb8;
	[tilespmem:$0x16C40] =	vst v63  }
0x68: {  	_ =	swait.ge [sflag:s28], $0x2000  }
0x69: {  	[sflag:s28] =	ssyncset.done $0x0  }
0x6a: {  	s0 =	sadd.s32 $0x2880, s3;
	[sflag:s28] =	ssyncadd.s32 $0xFFFFE000  }
0x6b: {  	[spmem:s2] =	stream.indirect.scatter.add.bf16 [tilespmem:s18], [sflag:$0x5], $0x40, s0, s16, $0xb8;
	[tilespmem:$0x16C40] =	vst v63  }
0x6c: {  	_ =	swait.ge [sflag:s26], $0x2000  }
0x6d: {  	[sflag:s26] =	ssyncset.done $0x0  }
0x6e: {  	s0 =	sadd.s32 $0x280, s3;
	[sflag:s26] =	ssyncadd.s32 $0xFFFFE000  }
0x6f: {  	[tilespmem:s18], [sflag:$0x2] =	stream.indirect.gather [hbm4b:s4+s16], $0x40, s0, s16, $0xb8;
	[tilespmem:$0x16C40] =	vst v63  }
0x70: {  	_ =	swait.ge [sflag:s29], $0x2000  }
0x71: {  	[sflag:s29] =	ssyncset.done $0x0  }
0x72: {  	s0 =	sadd.s32 $0x2900, s3;
	[sflag:s29] =	ssyncadd.s32 $0xFFFFE000  }
0x73: {  	[spmem:s2] =	stream.indirect.scatter.add.bf16 [tilespmem:s20], [sflag:$0x5], $0x40, s0, s16, $0xb8;
	[tilespmem:$0x16C40] =	vst v63  }
0x74: {  	_ =	swait.ge [sflag:s26], $0x2000  }
0x75: {  	[sflag:s26] =	ssyncset.done $0x0  }
0x76: {  	s0 =	sadd.s32 $0x300, s3;
	[sflag:s26] =	ssyncadd.s32 $0xFFFFE000  }
0x77: {  	[tilespmem:s20], [sflag:$0x3] =	stream.indirect.gather [hbm4b:s4+s16], $0x40, s0, s16, $0xb8;
	[tilespmem:$0x16C40] =	vst v63  }
0x78: {  	_ =	swait.ge [sflag:s30], $0x2000  }
0x79: {  	[sflag:s30] =	ssyncset.done $0x0  }
.Ltmp0:
0x7a: {  	s0 =	sadd.s32 $0x2980, s3;
	[sflag:s30] =	ssyncadd.s32 $0xFFFFE000;
	(pc) =	sbr.rel @p2 .LBB2_2-.Ltmp0, $4  }
0x7b: {  	[spmem:s2] =	stream.indirect.scatter.add.bf16 [tilespmem:s22], [sflag:$0x5], $0x40, s0, s16, $0xb8;
	[tilespmem:$0x16C40] =	vst v63  }
0x7c: {  	_ =	swait.ge [sflag:s26], $0x2000  }
0x7d: {  	[sflag:s26] =	ssyncset.done $0x0  }
0x7e: {  	s3 =	sadd.s32 $0x380, s3;
	[sflag:s26] =	ssyncadd.s32 $0xFFFFE000  }
0x7f: {  	[tilespmem:s22], [sflag:$0x4] =	stream.indirect.gather [hbm4b:s4+s16], $0x40, s3, s16, $0xb8;
	[tilespmem:$0x16C40] =	vst v63  }
0x80: {  	_ =	swait.ge [sflag:s24], $0x2000  }
0x81: {  	[sflag:s24] =	ssyncset.done $0x0  }
0x82: {  	s0 =	simm.s32 $0x4E00;
	[sflag:s24] =	ssyncadd.s32 $0xFFFFE000  }
0x83: {  	[spmem:s2] =	stream.indirect.scatter.add.bf16 [tilespmem:s17], [sflag:$0x5], $0x40, s0, s16, $0xb8;
	[tilespmem:$0x16C40] =	vst v63  }
0x84: {  	_ =	swait.ge [sflag:s26], $0x2000  }
0x85: {  	[sflag:s26] =	ssyncset.done $0x0  }
0x86: {  	[sflag:s26] =	ssyncadd.s32 $0xFFFFE000  }
0x87: {  	_ =	swait.ge [sflag:s28], $0x2000  }
0x88: {  	[sflag:s28] =	ssyncset.done $0x0  }
0x89: {  	s3 =	simm.s32 $0x4E80;
	[sflag:s28] =	ssyncadd.s32 $0xFFFFE000  }
0x8a: {  	[spmem:s2] =	stream.indirect.scatter.add.bf16 [tilespmem:s18], [sflag:$0x5], $0x40, s3, s16, $0xb8;
	[tilespmem:$0x16C40] =	vst v63  }
0x8b: {  	_ =	swait.ge [sflag:s26], $0x2000  }
0x8c: {  	[sflag:s26] =	ssyncset.done $0x0  }
0x8d: {  	[sflag:s26] =	ssyncadd.s32 $0xFFFFE000  }
0x8e: {  	_ =	swait.ge [sflag:s29], $0x2000  }
0x8f: {  	[sflag:s29] =	ssyncset.done $0x0  }
0x90: {  	s1 =	simm.s32 $0x4F00;
	[sflag:s29] =	ssyncadd.s32 $0xFFFFE000  }
0x91: {  	[spmem:s2] =	stream.indirect.scatter.add.bf16 [tilespmem:s20], [sflag:$0x5], $0x40, s1, s16, $0xb8;
	[tilespmem:$0x16C40] =	vst v63  }
0x92: {  	_ =	swait.ge [sflag:s26], $0x2000  }
0x93: {  	[sflag:s26] =	ssyncset.done $0x0  }
0x94: {  	[sflag:s26] =	ssyncadd.s32 $0xFFFFE000  }
0x95: {  	_ =	swait.ge [sflag:s30], $0x2000  }
0x96: {  	[sflag:s30] =	ssyncset.done $0x0  }
0x97: {  	s3 =	simm.s32 $0x4F80;
	[sflag:s30] =	ssyncadd.s32 $0xFFFFE000  }
0x98: {  	[spmem:s2] =	stream.indirect.scatter.add.bf16 [tilespmem:s22], [sflag:$0x5], $0x40, s3, s16, $0xb8;
	[tilespmem:$0x16C40] =	vst v63  }
0x99: {  	_ =	swait.ge [sflag:s26], $0x2000  }
0x9a: {  	[sflag:s26] =	ssyncset.done $0x0  }
0x9b: {  	[sflag:s26] =	ssyncadd.s32 $0xFFFFE000  }
0x9c: {  	s0 =	simm.s32 @p1 $0x1FC5;
	[bflag:$0x0] =	sbarrier.arrive $0xFFFF  }
0x9d: {  	[hbm:s14], [sflag:s0] =	dma.local @p1 [spmem:s21], $0x1400  }
0x9e: {  	s0 =	simm.s32 @p1 $0x5  }
0x9f: {  	s19 =	sadd.s32 $0x1, s19;
	_ =	swait.ge @p1 [sflag:s0], $0x1400  }
0xa0: {  	p2 =	sne.s32 s19, s15;
	[sflag:s0] =	ssyncset.done @p1 $0x0  }
.Ltmp1:
0xa1: {  	[sflag:s0] =	ssyncadd.s32 @p1 $0xFFFFEC00;
	s0 =	simm.s32 @!p1 $0x5;
	(pc) =	sbr.rel @p2 .LBB2_1-.Ltmp1, $4  }
0xa2: {  	[hbm:s13], [sflag:s31] =	dma.local @!p1 [spmem:s25], $0x1380  }
0xa3: {  	_ =	swait.ge @!p1 [sflag:s0], $0x1380  }
0xa4: {  	[sflag:s0] =	ssyncset.done @!p1 $0x0  }
0xa5: {  	[sflag:s0] =	ssyncadd.s32 @!p1 $0xFFFFEC80  }
0xa6: {  	_ =	sfence.sel $0x180000  }
0xa7: {  	[bflag:$0x0] =	sbarrier.arrive $0xFFFF  }
0xa8: {  	_ =	strace $0x90000047  }
0xa9: {  	s0 =	stileid.u32;
	[bflag:$0x2] =	sbarrier.arrive $0xFFFF  }
0xaa: {  	p0 =	sne.s32 s0, $0x0;
	s0 =	rddreg [dreg:$0x3]  }
0xab: {  	s0 =	sadd.s32 @!p0 $0x100000, s0  }
0xac: {  	[sflag:s0] =	ssyncadd.tile.s32 @!p0 $0x1;
	_ =	shalt  }
.Lfunc_end2:
_tile_overlayer_lowered:
.L_overlay_start_2:
0xad: {  	(tag) =	ssettag $0x2  }
0xae: {  	s0 =	rddreg [dreg:$0x0];
	s2 =	stileid.u32  }
0xaf: {  	s1 =	rddreg [dreg:$0x1];
	p0 =	sne.s32 s2, $0x0  }
0xb0: {  	s3 =	rddreg [dreg:$0x2];
	[bflag:$0x3] =	sbarrier.arrive $0xFFFF;
	s2 =	simm.s32 @!p0 $0x1C05  }
0xb1: {  	[timem:s3], [sflag:s2] =	dma.local @!p0 [hbm:s0], s1  }
0xb2: {  	s0 =	simm.s32 @!p0 $0x5  }
0xb3: {  	_ =	swait.ge @!p0 [sflag:s0], s1  }
0xb4: {  	s1 =	ssub.s32 @!p0 $0x0, s1;
	[sflag:s0] =	ssyncset.done @!p0 $0x0  }
0xb5: {  	[sflag:s0] =	ssyncadd.s32 @!p0 s1  }
0xb6: {  	[bflag:$0x3] =	sbarrier.arrive $0xFFFF  }
0xb7: {  	_ =	shalt  }

</sc_bundles>
